<compile_context>
chip_gen: v7x
topology: tpu7x:2x2x1
jax: 0.10.2.dev20260603
libtpu: 0.0.44.dev20260713+nightly
codegen_flags: <defaults>
</compile_context>

<pallas_src>
import functools

import jax
import jax.numpy as jnp
from jax import lax
from jax.experimental import pallas as pl
from jax.experimental.pallas import tpu as pltpu
from jax.experimental.pallas import tpu_sc as plsc

_DIM = 2048
_C = 7
_SEG = _DIM // _C
_ROWS = 16384
_NC = 2
_NS = 16
_NW = _NC * _NS

_SC_ROWS = 6144
_RPT = _SC_ROWS // _NW
_BLK = 512
_NB = _ROWS // _BLK
_TC_OFF = _SC_ROWS // _BLK
_NBT = _NB - _TC_OFF

_mesh = plsc.VectorSubcoreMesh(core_axis_name="c", subcore_axis_name="s")


def _alloc_body(dummy_ref, big_ref):
    dummy_ref[...] = jnp.zeros_like(dummy_ref)


def _alloc_out():
    dummy, big = pl.pallas_call(
        _alloc_body,
        out_shape=(
            jax.ShapeDtypeStruct((8, 128), jnp.float32),
            jax.ShapeDtypeStruct((_ROWS, _DIM), jnp.float32),
        ),
        out_specs=(
            pl.BlockSpec(memory_space=pltpu.VMEM),
            pl.BlockSpec(memory_space=pl.ANY),
        ),
    )()
    return big


@functools.partial(
    pl.kernel,
    mesh=_mesh,
    out_type=jax.ShapeDtypeStruct((16,), jnp.int32),
    scratch_types=[
        pltpu.VMEM((_RPT,), jnp.int32),
        pltpu.VMEM((8, _DIM), jnp.float32),
        pltpu.SemaphoreType.DMA,
        pltpu.SemaphoreType.DMA,
    ],
)
def _sc_writer(lab_hbm, tab_hbm, out_hbm, done_hbm, lab_v, tab_v, sem_in, sem_out):
    wid = lax.axis_index("s") * _NC + lax.axis_index("c")
    base = wid * _RPT
    pltpu.async_copy(lab_hbm.at[pl.ds(base, _RPT)], lab_v, sem_in).wait()
    pltpu.async_copy(tab_hbm, tab_v, sem_in).wait()

    @pl.loop(0, _RPT, step=16)
    def _fire(i):
        labs = lab_v[pl.ds(i, 16)]
        for k in range(16):
            pltpu.make_async_copy(
                tab_v.at[labs[k]], out_hbm.at[base + i + k], sem_out
            ).start()

    @pl.loop(0, _RPT)
    def _drain(i):
        pltpu.make_async_copy(
            tab_hbm.at[0], out_hbm.at[base + i], sem_out
        ).wait()

    @pl.when(wid == 0)
    def _():
        pltpu.async_copy(lab_v.at[pl.ds(0, 16)], done_hbm, sem_in).wait()


def _tc_inner(lab_ref, out_ref):
    lab = lab_ref[0, 0, :].reshape(_BLK, 1)
    start = lab * _SEG
    end = jnp.where(lab == _C - 1, _DIM, start + _SEG)
    j = jax.lax.broadcasted_iota(jnp.int32, (_BLK, _DIM), 1)
    mask = (j >= start) & (j < end)
    out_ref[...] = mask.astype(jnp.float32)


def _tc_writer_body(lab_hbm, out_hbm, done_ref):
    done_ref[...] = jnp.zeros_like(done_ref)
    pltpu.emit_pipeline(
        _tc_inner,
        grid=(_NBT,),
        in_specs=[
            pl.BlockSpec((1, 1, _BLK), lambda i: (_TC_OFF + i, 0, 0)),
        ],
        out_specs=[
            pl.BlockSpec((_BLK, _DIM), lambda i: (_TC_OFF + i, 0)),
        ],
    )(lab_hbm, out_hbm)


def _tc_writer(labs3d, out_buf):
    return pl.pallas_call(
        _tc_writer_body,
        in_specs=[
            pl.BlockSpec(memory_space=pl.ANY),
            pl.BlockSpec(memory_space=pl.ANY),
        ],
        out_shape=jax.ShapeDtypeStruct((8, 128), jnp.float32),
        out_specs=pl.BlockSpec(memory_space=pltpu.VMEM),
    )(labs3d, out_buf)


def _final_body(big_ref, d1_ref, d2_ref, out_ref):
    pass


def _finalize(big, d1, d2):
    return pl.pallas_call(
        _final_body,
        in_specs=[
            pl.BlockSpec(memory_space=pl.ANY),
            pl.BlockSpec(memory_space=pltpu.VMEM),
            pl.BlockSpec(memory_space=pltpu.SMEM),
        ],
        out_shape=jax.ShapeDtypeStruct((_ROWS, _DIM), jnp.float32),
        out_specs=pl.BlockSpec(memory_space=pl.ANY),
        input_output_aliases={0: 0},
    )(big, d1, d2)


def kernel(inputs_label):
    r = jnp.arange(8, dtype=jnp.int32)[:, None]
    j = jnp.arange(_DIM, dtype=jnp.int32)[None, :]
    start = r * _SEG
    end = jnp.where(r >= _C - 1, _DIM, start + _SEG)
    tab = ((j >= start) & (j < end)).astype(jnp.float32)

    out_buf = _alloc_out()
    d2 = _sc_writer(inputs_label, tab, out_buf)
    labs3d = inputs_label.reshape(_NB, 1, _BLK)
    d1 = _tc_writer(labs3d, out_buf)
    out = _finalize(out_buf, d1, d2)
    return out[None]

# --- scband reference (transcript-rebuilt; emitter-appended) ---
"""Pipeline reference for scband-label-encoder-34643206210015 (READ-ONLY COPY).

The authoritative reference and input builder live on the scoring server;
editing this copy changes nothing except your own understanding.
"""

import jax, jax.numpy as jnp
import numpy as np

DIM = 2048
C = 7
LENGTH = 16384

def setup_inputs(seed: int = 0) -> dict:
    key = jax.random.key(seed)
    inputs_label = jax.random.randint(key, (LENGTH,), 0, 7, dtype=jnp.int32)
    return {"inputs_label": inputs_label}

def reference(inputs_label):
    # Faithful translation of Label_encoder.forward:
    # encoding = zeros(1, length, dim); for each row i, set the segment
    # [phase*segment_size : phase*segment_size+segment_size) to 1, except
    # phase == 6 which fills [start:dim). Vectorized as a masked scatter-overwrite.
    length = inputs_label.shape[0]
    segment_size = DIM // C
    start = inputs_label.astype(jnp.int32) * segment_size
    end = jnp.where(inputs_label == 6, DIM, start + segment_size)
    j = jnp.arange(DIM, dtype=jnp.int32)
    mask = (j[None, :] >= start[:, None]) & (j[None, :] < end[:, None])
    encoding = jnp.zeros((length, DIM), dtype=jnp.float32)
    encoding = jnp.where(mask, jnp.float32(1.0), encoding)
    return encoding[None, :, :]

if __name__ == "__main__":
    import jax
    _d = setup_inputs()
    print(jax.jit(kernel)(*tuple(_d.values())))

</pallas_src>

<mosaic_0001>
#map = affine_map<(d0, d1) -> (0)>
#map1 = affine_map<(d0, d1) -> (0, 0)>
module attributes {stable_mosaic.version = 14 : i64} {
  func.func @_sc_writer(%arg0: i32, %arg1: i32, %arg2: memref<16384xi32, #tpu.memory_space<hbm>>, %arg3: memref<8x2048xf32, #tpu.memory_space<hbm>>, %arg4: memref<16384x2048xf32, #tpu.memory_space<hbm>>, %arg5: memref<16xi32, #tpu.memory_space<hbm>>, %arg6: memref<192xi32, #tpu.memory_space<vmem>>, %arg7: memref<8x2048xf32, #tpu.memory_space<vmem>>, %arg8: memref<!tpu.dma_semaphore, #tpu.memory_space<semaphore_mem>>, %arg9: memref<!tpu.dma_semaphore, #tpu.memory_space<semaphore_mem>>) attributes {dimension_semantics = [#tpu.dimension_semantics<core_parallel>, #tpu.dimension_semantics<subcore_parallel>], iteration_bounds = array<i64: 2, 16>, scalar_prefetch = 0 : i64, scratch_operands = 4 : i64, tpu.core_type = #tpu.core_type<sc_vector_subcore>, window_params = [{transform_indices = #map}, {transform_indices = #map1}, {transform_indices = #map1}, {transform_indices = #map}]} {
    %mul3A = arith.constant 2 : i32
    %mul3A_0 = arith.muli %arg1, %mul3A : i32
    %add3A = arith.addi %mul3A_0, %arg0 : i32
    %mul3A_1 = arith.constant 192 : i32
    %mul3A_2 = arith.muli %add3A, %mul3A_1 : i32
    %dma_start3A = tpu.memref_slice %arg2[%mul3A_2] : memref<16384xi32, #tpu.memory_space<hbm>> -> memref<192xi32, #tpu.memory_space<hbm>>
    %dma_start3A_3 = tpu.memref_slice %arg2[%mul3A_2] : memref<16384xi32, #tpu.memory_space<hbm>> -> memref<192xi32, #tpu.memory_space<hbm>>
    tpu.enqueue_dma source(%dma_start3A_3 : memref<192xi32, #tpu.memory_space<hbm>>) target(%arg6 : memref<192xi32, #tpu.memory_space<vmem>>) target_semaphore(%arg8 : memref<!tpu.dma_semaphore, #tpu.memory_space<semaphore_mem>>)
    %dma_wait3A = tpu.memref_slice %arg2[%mul3A_2] : memref<16384xi32, #tpu.memory_space<hbm>> -> memref<192xi32, #tpu.memory_space<hbm>>
    %dma_wait3A_4 = tpu.memref_slice %arg2[%mul3A_2] : memref<16384xi32, #tpu.memory_space<hbm>> -> memref<192xi32, #tpu.memory_space<hbm>>
    tpu.wait_dma2 semaphore(%arg8 : memref<!tpu.dma_semaphore, #tpu.memory_space<semaphore_mem>>) src(%dma_wait3A_4 : memref<192xi32, #tpu.memory_space<hbm>>) dst(%arg6 : memref<192xi32, #tpu.memory_space<vmem>>)
    tpu.enqueue_dma source(%arg3 : memref<8x2048xf32, #tpu.memory_space<hbm>>) target(%arg7 : memref<8x2048xf32, #tpu.memory_space<vmem>>) target_semaphore(%arg8 : memref<!tpu.dma_semaphore, #tpu.memory_space<semaphore_mem>>)
    tpu.wait_dma2 semaphore(%arg8 : memref<!tpu.dma_semaphore, #tpu.memory_space<semaphore_mem>>) src(%arg3 : memref<8x2048xf32, #tpu.memory_space<hbm>>) dst(%arg7 : memref<8x2048xf32, #tpu.memory_space<vmem>>)
    %scan3A = arith.constant 0 : i32
    %scan3A_5 = arith.constant 12 : i32
    %scan3A_6 = arith.addi %scan3A, %scan3A_5 : i32
    %scan3A_7 = arith.constant 1 : i32
    scf.for %scan3A_16 = %scan3A to %scan3A_6 step %scan3A_7  : i32 {
      %mul3A_17 = arith.constant 16 : i32
      %mul3A_18 = arith.muli %scan3A_16, %mul3A_17 : i32
      %add3A_19 = arith.constant 0 : i32
      %add3A_20 = arith.addi %add3A_19, %mul3A_18 : i32
      %get3A = arith.index_cast %add3A_20 : i32 to index
      %get3A_21 = tpu.vector_load %arg6[%get3A] {strides = array<i32>} : memref<192xi32, #tpu.memory_space<vmem>>, vector<16xi32>,
      %get3A_22 = vector.shape_cast %get3A_21 : vector<16xi32> to vector<16xi32>
      %slice3A = vector.extract_strided_slice %get3A_22 {offsets = [0], sizes = [1], strides = [1]} : vector<16xi32> to vector<1xi32>
      %squeeze3A = vector.extract %slice3A[0] : i32 from vector<1xi32>
      %add3A_23 = arith.addi %mul3A_2, %add3A_20 : i32
      %add3A_24 = arith.constant 0 : i32
      %add3A_25 = arith.addi %add3A_23, %add3A_24 : i32
      %dma_start3A_26 = arith.constant 0 : i32
      %dma_start3A_27 = tpu.memref_slice %arg7[%squeeze3A, %dma_start3A_26] : memref<8x2048xf32, #tpu.memory_space<vmem>> -> memref<1x2048xf32, #tpu.memory_space<vmem>>
      %dma_start3A_28 = tpu.memref_squeeze %dma_start3A_27 : memref<1x2048xf32, #tpu.memory_space<vmem>> -> memref<2048xf32, #tpu.memory_space<vmem>>
      %dma_start3A_29 = arith.constant 0 : i32
      %dma_start3A_30 = tpu.memref_slice %arg4[%add3A_25, %dma_start3A_29] : memref<16384x2048xf32, #tpu.memory_space<hbm>> -> memref<1x2048xf32, #tpu.memory_space<hbm>>
      %dma_start3A_31 = tpu.memref_squeeze %dma_start3A_30 : memref<1x2048xf32, #tpu.memory_space<hbm>> -> memref<2048xf32, #tpu.memory_space<hbm>>
      %dma_start3A_32 = arith.constant 0 : i32
      %dma_start3A_33 = tpu.memref_slice %arg4[%add3A_25, %dma_start3A_32] : memref<16384x2048xf32, #tpu.memory_space<hbm>> -> memref<1x2048xf32, #tpu.memory_space<hbm>>
      %dma_start3A_34 = tpu.memref_squeeze %dma_start3A_33 : memref<1x2048xf32, #tpu.memory_space<hbm>> -> memref<2048xf32, #tpu.memory_space<hbm>>
      %dma_start3A_35 = arith.constant 0 : i32
      %dma_start3A_36 = tpu.memref_slice %arg7[%squeeze3A, %dma_start3A_35] : memref<8x2048xf32, #tpu.memory_space<vmem>> -> memref<1x2048xf32, #tpu.memory_space<vmem>>
      %dma_start3A_37 = tpu.memref_squeeze %dma_start3A_36 : memref<1x2048xf32, #tpu.memory_space<vmem>> -> memref<2048xf32, #tpu.memory_space<vmem>>
      tpu.enqueue_dma source(%dma_start3A_37 : memref<2048xf32, #tpu.memory_space<vmem>>) target(%dma_start3A_34 : memref<2048xf32, #tpu.memory_space<hbm>>) target_semaphore(%arg9 : memref<!tpu.dma_semaphore, #tpu.memory_space<semaphore_mem>>)
      %slice3A_38 = vector.extract_strided_slice %get3A_22 {offsets = [1], sizes = [1], strides = [1]} : vector<16xi32> to vector<1xi32>
      %squeeze3A_39 = vector.extract %slice3A_38[0] : i32 from vector<1xi32>
      %add3A_40 = arith.addi %mul3A_2, %add3A_20 : i32
      %add3A_41 = arith.constant 1 : i32
      %add3A_42 = arith.addi %add3A_40, %add3A_41 : i32
      %dma_start3A_43 = arith.constant 0 : i32
      %dma_start3A_44 = tpu.memref_slice %arg7[%squeeze3A_39, %dma_start3A_43] : memref<8x2048xf32, #tpu.memory_space<vmem>> -> memref<1x2048xf32, #tpu.memory_space<vmem>>
      %dma_start3A_45 = tpu.memref_squeeze %dma_start3A_44 : memref<1x2048xf32, #tpu.memory_space<vmem>> -> memref<2048xf32, #tpu.memory_space<vmem>>
      %dma_start3A_46 = arith.constant 0 : i32
      %dma_start3A_47 = tpu.memref_slice %arg4[%add3A_42, %dma_start3A_46] : memref<16384x2048xf32, #tpu.memory_space<hbm>> -> memref<1x2048xf32, #tpu.memory_space<hbm>>
      %dma_start3A_48 = tpu.memref_squeeze %dma_start3A_47 : memref<1x2048xf32, #tpu.memory_space<hbm>> -> memref<2048xf32, #tpu.memory_space<hbm>>
      %dma_start3A_49 = arith.constant 0 : i32
      %dma_start3A_50 = tpu.memref_slice %arg4[%add3A_42, %dma_start3A_49] : memref<16384x2048xf32, #tpu.memory_space<hbm>> -> memref<1x2048xf32, #tpu.memory_space<hbm>>
      %dma_start3A_51 = tpu.memref_squeeze %dma_start3A_50 : memref<1x2048xf32, #tpu.memory_space<hbm>> -> memref<2048xf32, #tpu.memory_space<hbm>>
      %dma_start3A_52 = arith.constant 0 : i32
      %dma_start3A_53 = tpu.memref_slice %arg7[%squeeze3A_39, %dma_start3A_52] : memref<8x2048xf32, #tpu.memory_space<vmem>> -> memref<1x2048xf32, #tpu.memory_space<vmem>>
      %dma_start3A_54 = tpu.memref_squeeze %dma_start3A_53 : memref<1x2048xf32, #tpu.memory_space<vmem>> -> memref<2048xf32, #tpu.memory_space<vmem>>
      tpu.enqueue_dma source(%dma_start3A_54 : memref<2048xf32, #tpu.memory_space<vmem>>) target(%dma_start3A_51 : memref<2048xf32, #tpu.memory_space<hbm>>) target_semaphore(%arg9 : memref<!tpu.dma_semaphore, #tpu.memory_space<semaphore_mem>>)
      %slice3A_55 = vector.extract_strided_slice %get3A_22 {offsets = [2], sizes = [1], strides = [1]} : vector<16xi32> to vector<1xi32>
      %squeeze3A_56 = vector.extract %slice3A_55[0] : i32 from vector<1xi32>
      %add3A_57 = arith.addi %mul3A_2, %add3A_20 : i32
      %add3A_58 = arith.constant 2 : i32
      %add3A_59 = arith.addi %add3A_57, %add3A_58 : i32
      %dma_start3A_60 = arith.constant 0 : i32
      %dma_start3A_61 = tpu.memref_slice %arg7[%squeeze3A_56, %dma_start3A_60] : memref<8x2048xf32, #tpu.memory_space<vmem>> -> memref<1x2048xf32, #tpu.memory_space<vmem>>
      %dma_start3A_62 = tpu.memref_squeeze %dma_start3A_61 : memref<1x2048xf32, #tpu.memory_space<vmem>> -> memref<2048xf32, #tpu.memory_space<vmem>>
      %dma_start3A_63 = arith.constant 0 : i32
      %dma_start3A_64 = tpu.memref_slice %arg4[%add3A_59, %dma_start3A_63] : memref<16384x2048xf32, #tpu.memory_space<hbm>> -> memref<1x2048xf32, #tpu.memory_space<hbm>>
      %dma_start3A_65 = tpu.memref_squeeze %dma_start3A_64 : memref<1x2048xf32, #tpu.memory_space<hbm>> -> memref<2048xf32, #tpu.memory_space<hbm>>
      %dma_start3A_66 = arith.constant 0 : i32
      %dma_start3A_67 = tpu.memref_slice %arg4[%add3A_59, %dma_start3A_66] : memref<16384x2048xf32, #tpu.memory_space<hbm>> -> memref<1x2048xf32, #tpu.memory_space<hbm>>
      %dma_start3A_68 = tpu.memref_squeeze %dma_start3A_67 : memref<1x2048xf32, #tpu.memory_space<hbm>> -> memref<2048xf32, #tpu.memory_space<hbm>>
      %dma_start3A_69 = arith.constant 0 : i32
      %dma_start3A_70 = tpu.memref_slice %arg7[%squeeze3A_56, %dma_start3A_69] : memref<8x2048xf32, #tpu.memory_space<vmem>> -> memref<1x2048xf32, #tpu.memory_space<vmem>>
      %dma_start3A_71 = tpu.memref_squeeze %dma_start3A_70 : memref<1x2048xf32, #tpu.memory_space<vmem>> -> memref<2048xf32, #tpu.memory_space<vmem>>
      tpu.enqueue_dma source(%dma_start3A_71 : memref<2048xf32, #tpu.memory_space<vmem>>) target(%dma_start3A_68 : memref<2048xf32, #tpu.memory_space<hbm>>) target_semaphore(%arg9 : memref<!tpu.dma_semaphore, #tpu.memory_space<semaphore_mem>>)
      %slice3A_72 = vector.extract_strided_slice %get3A_22 {offsets = [3], sizes = [1], strides = [1]} : vector<16xi32> to vector<1xi32>
      %squeeze3A_73 = vector.extract %slice3A_72[0] : i32 from vector<1xi32>
      %add3A_74 = arith.addi %mul3A_2, %add3A_20 : i32
      %add3A_75 = arith.constant 3 : i32
      %add3A_76 = arith.addi %add3A_74, %add3A_75 : i32
      %dma_start3A_77 = arith.constant 0 : i32
      %dma_start3A_78 = tpu.memref_slice %arg7[%squeeze3A_73, %dma_start3A_77] : memref<8x2048xf32, #tpu.memory_space<vmem>> -> memref<1x2048xf32, #tpu.memory_space<vmem>>
      %dma_start3A_79 = tpu.memref_squeeze %dma_start3A_78 : memref<1x2048xf32, #tpu.memory_space<vmem>> -> memref<2048xf32, #tpu.memory_space<vmem>>
      %dma_start3A_80 = arith.constant 0 : i32
      %dma_start3A_81 = tpu.memref_slice %arg4[%add3A_76, %dma_start3A_80] : memref<16384x2048xf32, #tpu.memory_space<hbm>> -> memref<1x2048xf32, #tpu.memory_space<hbm>>
      %dma_start3A_82 = tpu.memref_squeeze %dma_start3A_81 : memref<1x2048xf32, #tpu.memory_space<hbm>> -> memref<2048xf32, #tpu.memory_space<hbm>>
      %dma_start3A_83 = arith.constant 0 : i32
      %dma_start3A_84 = tpu.memref_slice %arg4[%add3A_76, %dma_start3A_83] : memref<16384x2048xf32, #tpu.memory_space<hbm>> -> memref<1x2048xf32, #tpu.memory_space<hbm>>
      %dma_start3A_85 = tpu.memref_squeeze %dma_start3A_84 : memref<1x2048xf32, #tpu.memory_space<hbm>> -> memref<2048xf32, #tpu.memory_space<hbm>>
      %dma_start3A_86 = arith.constant 0 : i32
      %dma_start3A_87 = tpu.memref_slice %arg7[%squeeze3A_73, %dma_start3A_86] : memref<8x2048xf32, #tpu.memory_space<vmem>> -> memref<1x2048xf32, #tpu.memory_space<vmem>>
      %dma_start3A_88 = tpu.memref_squeeze %dma_start3A_87 : memref<1x2048xf32, #tpu.memory_space<vmem>> -> memref<2048xf32, #tpu.memory_space<vmem>>
      tpu.enqueue_dma source(%dma_start3A_88 : memref<2048xf32, #tpu.memory_space<vmem>>) target(%dma_start3A_85 : memref<2048xf32, #tpu.memory_space<hbm>>) target_semaphore(%arg9 : memref<!tpu.dma_semaphore, #tpu.memory_space<semaphore_mem>>)
      %slice3A_89 = vector.extract_strided_slice %get3A_22 {offsets = [4], sizes = [1], strides = [1]} : vector<16xi32> to vector<1xi32>
      %squeeze3A_90 = vector.extract %slice3A_89[0] : i32 from vector<1xi32>
      %add3A_91 = arith.addi %mul3A_2, %add3A_20 : i32
      %add3A_92 = arith.constant 4 : i32
      %add3A_93 = arith.addi %add3A_91, %add3A_92 : i32
      %dma_start3A_94 = arith.constant 0 : i32
      %dma_start3A_95 = tpu.memref_slice %arg7[%squeeze3A_90, %dma_start3A_94] : memref<8x2048xf32, #tpu.memory_space<vmem>> -> memref<1x2048xf32, #tpu.memory_space<vmem>>
      %dma_start3A_96 = tpu.memref_squeeze %dma_start3A_95 : memref<1x2048xf32, #tpu.memory_space<vmem>> -> memref<2048xf32, #tpu.memory_space<vmem>>
      %dma_start3A_97 = arith.constant 0 : i32
      %dma_start3A_98 = tpu.memref_slice %arg4[%add3A_93, %dma_start3A_97] : memref<16384x2048xf32, #tpu.memory_space<hbm>> -> memref<1x2048xf32, #tpu.memory_space<hbm>>
      %dma_start3A_99 = tpu.memref_squeeze %dma_start3A_98 : memref<1x2048xf32, #tpu.memory_space<hbm>> -> memref<2048xf32, #tpu.memory_space<hbm>>
      %dma_start3A_100 = arith.constant 0 : i32
      %dma_start3A_101 = tpu.memref_slice %arg4[%add3A_93, %dma_start3A_100] : memref<16384x2048xf32, #tpu.memory_space<hbm>> -> memref<1x2048xf32, #tpu.memory_space<hbm>>
      %dma_start3A_102 = tpu.memref_squeeze %dma_start3A_101 : memref<1x2048xf32, #tpu.memory_space<hbm>> -> memref<2048xf32, #tpu.memory_space<hbm>>
      %dma_start3A_103 = arith.constant 0 : i32
      %dma_start3A_104 = tpu.memref_slice %arg7[%squeeze3A_90, %dma_start3A_103] : memref<8x2048xf32, #tpu.memory_space<vmem>> -> memref<1x2048xf32, #tpu.memory_space<vmem>>
      %dma_start3A_105 = tpu.memref_squeeze %dma_start3A_104 : memref<1x2048xf32, #tpu.memory_space<vmem>> -> memref<2048xf32, #tpu.memory_space<vmem>>
      tpu.enqueue_dma source(%dma_start3A_105 : memref<2048xf32, #tpu.memory_space<vmem>>) target(%dma_start3A_102 : memref<2048xf32, #tpu.memory_space<hbm>>) target_semaphore(%arg9 : memref<!tpu.dma_semaphore, #tpu.memory_space<semaphore_mem>>)
      %slice3A_106 = vector.extract_strided_slice %get3A_22 {offsets = [5], sizes = [1], strides = [1]} : vector<16xi32> to vector<1xi32>
      %squeeze3A_107 = vector.extract %slice3A_106[0] : i32 from vector<1xi32>
      %add3A_108 = arith.addi %mul3A_2, %add3A_20 : i32
      %add3A_109 = arith.constant 5 : i32
      %add3A_110 = arith.addi %add3A_108, %add3A_109 : i32
      %dma_start3A_111 = arith.constant 0 : i32
      %dma_start3A_112 = tpu.memref_slice %arg7[%squeeze3A_107, %dma_start3A_111] : memref<8x2048xf32, #tpu.memory_space<vmem>> -> memref<1x2048xf32, #tpu.memory_space<vmem>>
      %dma_start3A_113 = tpu.memref_squeeze %dma_start3A_112 : memref<1x2048xf32, #tpu.memory_space<vmem>> -> memref<2048xf32, #tpu.memory_space<vmem>>
      %dma_start3A_114 = arith.constant 0 : i32
      %dma_start3A_115 = tpu.memref_slice %arg4[%add3A_110, %dma_start3A_114] : memref<16384x2048xf32, #tpu.memory_space<hbm>> -> memref<1x2048xf32, #tpu.memory_space<hbm>>
      %dma_start3A_116 = tpu.memref_squeeze %dma_start3A_115 : memref<1x2048xf32, #tpu.memory_space<hbm>> -> memref<2048xf32, #tpu.memory_space<hbm>>
      %dma_start3A_117 = arith.constant 0 : i32
      %dma_start3A_118 = tpu.memref_slice %arg4[%add3A_110, %dma_start3A_117] : memref<16384x2048xf32, #tpu.memory_space<hbm>> -> memref<1x2048xf32, #tpu.memory_space<hbm>>
      %dma_start3A_119 = tpu.memref_squeeze %dma_start3A_118 : memref<1x2048xf32, #tpu.memory_space<hbm>> -> memref<2048xf32, #tpu.memory_space<hbm>>
      %dma_start3A_120 = arith.constant 0 : i32
      %dma_start3A_121 = tpu.memref_slice %arg7[%squeeze3A_107, %dma_start3A_120] : memref<8x2048xf32, #tpu.memory_space<vmem>> -> memref<1x2048xf32, #tpu.memory_space<vmem>>
      %dma_start3A_122 = tpu.memref_squeeze %dma_start3A_121 : memref<1x2048xf32, #tpu.memory_space<vmem>> -> memref<2048xf32, #tpu.memory_space<vmem>>
      tpu.enqueue_dma source(%dma_start3A_122 : memref<2048xf32, #tpu.memory_space<vmem>>) target(%dma_start3A_119 : memref<2048xf32, #tpu.memory_space<hbm>>) target_semaphore(%arg9 : memref<!tpu.dma_semaphore, #tpu.memory_space<semaphore_mem>>)
      %slice3A_123 = vector.extract_strided_slice %get3A_22 {offsets = [6], sizes = [1], strides = [1]} : vector<16xi32> to vector<1xi32>
      %squeeze3A_124 = vector.extract %slice3A_123[0] : i32 from vector<1xi32>
      %add3A_125 = arith.addi %mul3A_2, %add3A_20 : i32
      %add3A_126 = arith.constant 6 : i32
      %add3A_127 = arith.addi %add3A_125, %add3A_126 : i32
      %dma_start3A_128 = arith.constant 0 : i32
      %dma_start3A_129 = tpu.memref_slice %arg7[%squeeze3A_124, %dma_start3A_128] : memref<8x2048xf32, #tpu.memory_space<vmem>> -> memref<1x2048xf32, #tpu.memory_space<vmem>>
      %dma_start3A_130 = tpu.memref_squeeze %dma_start3A_129 : memref<1x2048xf32, #tpu.memory_space<vmem>> -> memref<2048xf32, #tpu.memory_space<vmem>>
      %dma_start3A_131 = arith.constant 0 : i32
      %dma_start3A_132 = tpu.memref_slice %arg4[%add3A_127, %dma_start3A_131] : memref<16384x2048xf32, #tpu.memory_space<hbm>> -> memref<1x2048xf32, #tpu.memory_space<hbm>>
      %dma_start3A_133 = tpu.memref_squeeze %dma_start3A_132 : memref<1x2048xf32, #tpu.memory_space<hbm>> -> memref<2048xf32, #tpu.memory_space<hbm>>
      %dma_start3A_134 = arith.constant 0 : i32
      %dma_start3A_135 = tpu.memref_slice %arg4[%add3A_127, %dma_start3A_134] : memref<16384x2048xf32, #tpu.memory_space<hbm>> -> memref<1x2048xf32, #tpu.memory_space<hbm>>
      %dma_start3A_136 = tpu.memref_squeeze %dma_start3A_135 : memref<1x2048xf32, #tpu.memory_space<hbm>> -> memref<2048xf32, #tpu.memory_space<hbm>>
      %dma_start3A_137 = arith.constant 0 : i32
      %dma_start3A_138 = tpu.memref_slice %arg7[%squeeze3A_124, %dma_start3A_137] : memref<8x2048xf32, #tpu.memory_space<vmem>> -> memref<1x2048xf32, #tpu.memory_space<vmem>>
      %dma_start3A_139 = tpu.memref_squeeze %dma_start3A_138 : memref<1x2048xf32, #tpu.memory_space<vmem>> -> memref<2048xf32, #tpu.memory_space<vmem>>
      tpu.enqueue_dma source(%dma_start3A_139 : memref<2048xf32, #tpu.memory_space<vmem>>) target(%dma_start3A_136 : memref<2048xf32, #tpu.memory_space<hbm>>) target_semaphore(%arg9 : memref<!tpu.dma_semaphore, #tpu.memory_space<semaphore_mem>>)
      %slice3A_140 = vector.extract_strided_slice %get3A_22 {offsets = [7], sizes = [1], strides = [1]} : vector<16xi32> to vector<1xi32>
      %squeeze3A_141 = vector.extract %slice3A_140[0] : i32 from vector<1xi32>
      %add3A_142 = arith.addi %mul3A_2, %add3A_20 : i32
      %add3A_143 = arith.constant 7 : i32
      %add3A_144 = arith.addi %add3A_142, %add3A_143 : i32
      %dma_start3A_145 = arith.constant 0 : i32
      %dma_start3A_146 = tpu.memref_slice %arg7[%squeeze3A_141, %dma_start3A_145] : memref<8x2048xf32, #tpu.memory_space<vmem>> -> memref<1x2048xf32, #tpu.memory_space<vmem>>
      %dma_start3A_147 = tpu.memref_squeeze %dma_start3A_146 : memref<1x2048xf32, #tpu.memory_space<vmem>> -> memref<2048xf32, #tpu.memory_space<vmem>>
      %dma_start3A_148 = arith.constant 0 : i32
      %dma_start3A_149 = tpu.memref_slice %arg4[%add3A_144, %dma_start3A_148] : memref<16384x2048xf32, #tpu.memory_space<hbm>> -> memref<1x2048xf32, #tpu.memory_space<hbm>>
      %dma_start3A_150 = tpu.memref_squeeze %dma_start3A_149 : memref<1x2048xf32, #tpu.memory_space<hbm>> -> memref<2048xf32, #tpu.memory_space<hbm>>
      %dma_start3A_151 = arith.constant 0 : i32
      %dma_start3A_152 = tpu.memref_slice %arg4[%add3A_144, %dma_start3A_151] : memref<16384x2048xf32, #tpu.memory_space<hbm>> -> memref<1x2048xf32, #tpu.memory_space<hbm>>
      %dma_start3A_153 = tpu.memref_squeeze %dma_start3A_152 : memref<1x2048xf32, #tpu.memory_space<hbm>> -> memref<2048xf32, #tpu.memory_space<hbm>>
      %dma_start3A_154 = arith.constant 0 : i32
      %dma_start3A_155 = tpu.memref_slice %arg7[%squeeze3A_141, %dma_start3A_154] : memref<8x2048xf32, #tpu.memory_space<vmem>> -> memref<1x2048xf32, #tpu.memory_space<vmem>>
      %dma_start3A_156 = tpu.memref_squeeze %dma_start3A_155 : memref<1x2048xf32, #tpu.memory_space<vmem>> -> memref<2048xf32, #tpu.memory_space<vmem>>
      tpu.enqueue_dma source(%dma_start3A_156 : memref<2048xf32, #tpu.memory_space<vmem>>) target(%dma_start3A_153 : memref<2048xf32, #tpu.memory_space<hbm>>) target_semaphore(%arg9 : memref<!tpu.dma_semaphore, #tpu.memory_space<semaphore_mem>>)
      %slice3A_157 = vector.extract_strided_slice %get3A_22 {offsets = [8], sizes = [1], strides = [1]} : vector<16xi32> to vector<1xi32>
      %squeeze3A_158 = vector.extract %slice3A_157[0] : i32 from vector<1xi32>
      %add3A_159 = arith.addi %mul3A_2, %add3A_20 : i32
      %add3A_160 = arith.constant 8 : i32
      %add3A_161 = arith.addi %add3A_159, %add3A_160 : i32
      %dma_start3A_162 = arith.constant 0 : i32
      %dma_start3A_163 = tpu.memref_slice %arg7[%squeeze3A_158, %dma_start3A_162] : memref<8x2048xf32, #tpu.memory_space<vmem>> -> memref<1x2048xf32, #tpu.memory_space<vmem>>
      %dma_start3A_164 = tpu.memref_squeeze %dma_start3A_163 : memref<1x2048xf32, #tpu.memory_space<vmem>> -> memref<2048xf32, #tpu.memory_space<vmem>>
      %dma_start3A_165 = arith.constant 0 : i32
      %dma_start3A_166 = tpu.memref_slice %arg4[%add3A_161, %dma_start3A_165] : memref<16384x2048xf32, #tpu.memory_space<hbm>> -> memref<1x2048xf32, #tpu.memory_space<hbm>>
      %dma_start3A_167 = tpu.memref_squeeze %dma_start3A_166 : memref<1x2048xf32, #tpu.memory_space<hbm>> -> memref<2048xf32, #tpu.memory_space<hbm>>
      %dma_start3A_168 = arith.constant 0 : i32
      %dma_start3A_169 = tpu.memref_slice %arg4[%add3A_161, %dma_start3A_168] : memref<16384x2048xf32, #tpu.memory_space<hbm>> -> memref<1x2048xf32, #tpu.memory_space<hbm>>
      %dma_start3A_170 = tpu.memref_squeeze %dma_start3A_169 : memref<1x2048xf32, #tpu.memory_space<hbm>> -> memref<2048xf32, #tpu.memory_space<hbm>>
      %dma_start3A_171 = arith.constant 0 : i32
      %dma_start3A_172 = tpu.memref_slice %arg7[%squeeze3A_158, %dma_start3A_171] : memref<8x2048xf32, #tpu.memory_space<vmem>> -> memref<1x2048xf32, #tpu.memory_space<vmem>>
      %dma_start3A_173 = tpu.memref_squeeze %dma_start3A_172 : memref<1x2048xf32, #tpu.memory_space<vmem>> -> memref<2048xf32, #tpu.memory_space<vmem>>
      tpu.enqueue_dma source(%dma_start3A_173 : memref<2048xf32, #tpu.memory_space<vmem>>) target(%dma_start3A_170 : memref<2048xf32, #tpu.memory_space<hbm>>) target_semaphore(%arg9 : memref<!tpu.dma_semaphore, #tpu.memory_space<semaphore_mem>>)
      %slice3A_174 = vector.extract_strided_slice %get3A_22 {offsets = [9], sizes = [1], strides = [1]} : vector<16xi32> to vector<1xi32>
      %squeeze3A_175 = vector.extract %slice3A_174[0] : i32 from vector<1xi32>
      %add3A_176 = arith.addi %mul3A_2, %add3A_20 : i32
      %add3A_177 = arith.constant 9 : i32
      %add3A_178 = arith.addi %add3A_176, %add3A_177 : i32
      %dma_start3A_179 = arith.constant 0 : i32
      %dma_start3A_180 = tpu.memref_slice %arg7[%squeeze3A_175, %dma_start3A_179] : memref<8x2048xf32, #tpu.memory_space<vmem>> -> memref<1x2048xf32, #tpu.memory_space<vmem>>
      %dma_start3A_181 = tpu.memref_squeeze %dma_start3A_180 : memref<1x2048xf32, #tpu.memory_space<vmem>> -> memref<2048xf32, #tpu.memory_space<vmem>>
      %dma_start3A_182 = arith.constant 0 : i32
      %dma_start3A_183 = tpu.memref_slice %arg4[%add3A_178, %dma_start3A_182] : memref<16384x2048xf32, #tpu.memory_space<hbm>> -> memref<1x2048xf32, #tpu.memory_space<hbm>>
      %dma_start3A_184 = tpu.memref_squeeze %dma_start3A_183 : memref<1x2048xf32, #tpu.memory_space<hbm>> -> memref<2048xf32, #tpu.memory_space<hbm>>
      %dma_start3A_185 = arith.constant 0 : i32
      %dma_start3A_186 = tpu.memref_slice %arg4[%add3A_178, %dma_start3A_185] : memref<16384x2048xf32, #tpu.memory_space<hbm>> -> memref<1x2048xf32, #tpu.memory_space<hbm>>
      %dma_start3A_187 = tpu.memref_squeeze %dma_start3A_186 : memref<1x2048xf32, #tpu.memory_space<hbm>> -> memref<2048xf32, #tpu.memory_space<hbm>>
      %dma_start3A_188 = arith.constant 0 : i32
      %dma_start3A_189 = tpu.memref_slice %arg7[%squeeze3A_175, %dma_start3A_188] : memref<8x2048xf32, #tpu.memory_space<vmem>> -> memref<1x2048xf32, #tpu.memory_space<vmem>>
      %dma_start3A_190 = tpu.memref_squeeze %dma_start3A_189 : memref<1x2048xf32, #tpu.memory_space<vmem>> -> memref<2048xf32, #tpu.memory_space<vmem>>
      tpu.enqueue_dma source(%dma_start3A_190 : memref<2048xf32, #tpu.memory_space<vmem>>) target(%dma_start3A_187 : memref<2048xf32, #tpu.memory_space<hbm>>) target_semaphore(%arg9 : memref<!tpu.dma_semaphore, #tpu.memory_space<semaphore_mem>>)
      %slice3A_191 = vector.extract_strided_slice %get3A_22 {offsets = [10], sizes = [1], strides = [1]} : vector<16xi32> to vector<1xi32>
      %squeeze3A_192 = vector.extract %slice3A_191[0] : i32 from vector<1xi32>
      %add3A_193 = arith.addi %mul3A_2, %add3A_20 : i32
      %add3A_194 = arith.constant 10 : i32
      %add3A_195 = arith.addi %add3A_193, %add3A_194 : i32
      %dma_start3A_196 = arith.constant 0 : i32
      %dma_start3A_197 = tpu.memref_slice %arg7[%squeeze3A_192, %dma_start3A_196] : memref<8x2048xf32, #tpu.memory_space<vmem>> -> memref<1x2048xf32, #tpu.memory_space<vmem>>
      %dma_start3A_198 = tpu.memref_squeeze %dma_start3A_197 : memref<1x2048xf32, #tpu.memory_space<vmem>> -> memref<2048xf32, #tpu.memory_space<vmem>>
      %dma_start3A_199 = arith.constant 0 : i32
      %dma_start3A_200 = tpu.memref_slice %arg4[%add3A_195, %dma_start3A_199] : memref<16384x2048xf32, #tpu.memory_space<hbm>> -> memref<1x2048xf32, #tpu.memory_space<hbm>>
      %dma_start3A_201 = tpu.memref_squeeze %dma_start3A_200 : memref<1x2048xf32, #tpu.memory_space<hbm>> -> memref<2048xf32, #tpu.memory_space<hbm>>
      %dma_start3A_202 = arith.constant 0 : i32
      %dma_start3A_203 = tpu.memref_slice %arg4[%add3A_195, %dma_start3A_202] : memref<16384x2048xf32, #tpu.memory_space<hbm>> -> memref<1x2048xf32, #tpu.memory_space<hbm>>
      %dma_start3A_204 = tpu.memref_squeeze %dma_start3A_203 : memref<1x2048xf32, #tpu.memory_space<hbm>> -> memref<2048xf32, #tpu.memory_space<hbm>>
      %dma_start3A_205 = arith.constant 0 : i32
      %dma_start3A_206 = tpu.memref_slice %arg7[%squeeze3A_192, %dma_start3A_205] : memref<8x2048xf32, #tpu.memory_space<vmem>> -> memref<1x2048xf32, #tpu.memory_space<vmem>>
      %dma_start3A_207 = tpu.memref_squeeze %dma_start3A_206 : memref<1x2048xf32, #tpu.memory_space<vmem>> -> memref<2048xf32, #tpu.memory_space<vmem>>
      tpu.enqueue_dma source(%dma_start3A_207 : memref<2048xf32, #tpu.memory_space<vmem>>) target(%dma_start3A_204 : memref<2048xf32, #tpu.memory_space<hbm>>) target_semaphore(%arg9 : memref<!tpu.dma_semaphore, #tpu.memory_space<semaphore_mem>>)
      %slice3A_208 = vector.extract_strided_slice %get3A_22 {offsets = [11], sizes = [1], strides = [1]} : vector<16xi32> to vector<1xi32>
      %squeeze3A_209 = vector.extract %slice3A_208[0] : i32 from vector<1xi32>
      %add3A_210 = arith.addi %mul3A_2, %add3A_20 : i32
      %add3A_211 = arith.constant 11 : i32
      %add3A_212 = arith.addi %add3A_210, %add3A_211 : i32
      %dma_start3A_213 = arith.constant 0 : i32
      %dma_start3A_214 = tpu.memref_slice %arg7[%squeeze3A_209, %dma_start3A_213] : memref<8x2048xf32, #tpu.memory_space<vmem>> -> memref<1x2048xf32, #tpu.memory_space<vmem>>
      %dma_start3A_215 = tpu.memref_squeeze %dma_start3A_214 : memref<1x2048xf32, #tpu.memory_space<vmem>> -> memref<2048xf32, #tpu.memory_space<vmem>>
      %dma_start3A_216 = arith.constant 0 : i32
      %dma_start3A_217 = tpu.memref_slice %arg4[%add3A_212, %dma_start3A_216] : memref<16384x2048xf32, #tpu.memory_space<hbm>> -> memref<1x2048xf32, #tpu.memory_space<hbm>>
      %dma_start3A_218 = tpu.memref_squeeze %dma_start3A_217 : memref<1x2048xf32, #tpu.memory_space<hbm>> -> memref<2048xf32, #tpu.memory_space<hbm>>
      %dma_start3A_219 = arith.constant 0 : i32
      %dma_start3A_220 = tpu.memref_slice %arg4[%add3A_212, %dma_start3A_219] : memref<16384x2048xf32, #tpu.memory_space<hbm>> -> memref<1x2048xf32, #tpu.memory_space<hbm>>
      %dma_start3A_221 = tpu.memref_squeeze %dma_start3A_220 : memref<1x2048xf32, #tpu.memory_space<hbm>> -> memref<2048xf32, #tpu.memory_space<hbm>>
      %dma_start3A_222 = arith.constant 0 : i32
      %dma_start3A_223 = tpu.memref_slice %arg7[%squeeze3A_209, %dma_start3A_222] : memref<8x2048xf32, #tpu.memory_space<vmem>> -> memref<1x2048xf32, #tpu.memory_space<vmem>>
      %dma_start3A_224 = tpu.memref_squeeze %dma_start3A_223 : memref<1x2048xf32, #tpu.memory_space<vmem>> -> memref<2048xf32, #tpu.memory_space<vmem>>
      tpu.enqueue_dma source(%dma_start3A_224 : memref<2048xf32, #tpu.memory_space<vmem>>) target(%dma_start3A_221 : memref<2048xf32, #tpu.memory_space<hbm>>) target_semaphore(%arg9 : memref<!tpu.dma_semaphore, #tpu.memory_space<semaphore_mem>>)
      %slice3A_225 = vector.extract_strided_slice %get3A_22 {offsets = [12], sizes = [1], strides = [1]} : vector<16xi32> to vector<1xi32>
      %squeeze3A_226 = vector.extract %slice3A_225[0] : i32 from vector<1xi32>
      %add3A_227 = arith.addi %mul3A_2, %add3A_20 : i32
      %add3A_228 = arith.constant 12 : i32
      %add3A_229 = arith.addi %add3A_227, %add3A_228 : i32
      %dma_start3A_230 = arith.constant 0 : i32
      %dma_start3A_231 = tpu.memref_slice %arg7[%squeeze3A_226, %dma_start3A_230] : memref<8x2048xf32, #tpu.memory_space<vmem>> -> memref<1x2048xf32, #tpu.memory_space<vmem>>
      %dma_start3A_232 = tpu.memref_squeeze %dma_start3A_231 : memref<1x2048xf32, #tpu.memory_space<vmem>> -> memref<2048xf32, #tpu.memory_space<vmem>>
      %dma_start3A_233 = arith.constant 0 : i32
      %dma_start3A_234 = tpu.memref_slice %arg4[%add3A_229, %dma_start3A_233] : memref<16384x2048xf32, #tpu.memory_space<hbm>> -> memref<1x2048xf32, #tpu.memory_space<hbm>>
      %dma_start3A_235 = tpu.memref_squeeze %dma_start3A_234 : memref<1x2048xf32, #tpu.memory_space<hbm>> -> memref<2048xf32, #tpu.memory_space<hbm>>
      %dma_start3A_236 = arith.constant 0 : i32
      %dma_start3A_237 = tpu.memref_slice %arg4[%add3A_229, %dma_start3A_236] : memref<16384x2048xf32, #tpu.memory_space<hbm>> -> memref<1x2048xf32, #tpu.memory_space<hbm>>
      %dma_start3A_238 = tpu.memref_squeeze %dma_start3A_237 : memref<1x2048xf32, #tpu.memory_space<hbm>> -> memref<2048xf32, #tpu.memory_space<hbm>>
      %dma_start3A_239 = arith.constant 0 : i32
      %dma_start3A_240 = tpu.memref_slice %arg7[%squeeze3A_226, %dma_start3A_239] : memref<8x2048xf32, #tpu.memory_space<vmem>> -> memref<1x2048xf32, #tpu.memory_space<vmem>>
      %dma_start3A_241 = tpu.memref_squeeze %dma_start3A_240 : memref<1x2048xf32, #tpu.memory_space<vmem>> -> memref<2048xf32, #tpu.memory_space<vmem>>
      tpu.enqueue_dma source(%dma_start3A_241 : memref<2048xf32, #tpu.memory_space<vmem>>) target(%dma_start3A_238 : memref<2048xf32, #tpu.memory_space<hbm>>) target_semaphore(%arg9 : memref<!tpu.dma_semaphore, #tpu.memory_space<semaphore_mem>>)
      %slice3A_242 = vector.extract_strided_slice %get3A_22 {offsets = [13], sizes = [1], strides = [1]} : vector<16xi32> to vector<1xi32>
      %squeeze3A_243 = vector.extract %slice3A_242[0] : i32 from vector<1xi32>
      %add3A_244 = arith.addi %mul3A_2, %add3A_20 : i32
      %add3A_245 = arith.constant 13 : i32
      %add3A_246 = arith.addi %add3A_244, %add3A_245 : i32
      %dma_start3A_247 = arith.constant 0 : i32
      %dma_start3A_248 = tpu.memref_slice %arg7[%squeeze3A_243, %dma_start3A_247] : memref<8x2048xf32, #tpu.memory_space<vmem>> -> memref<1x2048xf32, #tpu.memory_space<vmem>>
      %dma_start3A_249 = tpu.memref_squeeze %dma_start3A_248 : memref<1x2048xf32, #tpu.memory_space<vmem>> -> memref<2048xf32, #tpu.memory_space<vmem>>
      %dma_start3A_250 = arith.constant 0 : i32
      %dma_start3A_251 = tpu.memref_slice %arg4[%add3A_246, %dma_start3A_250] : memref<16384x2048xf32, #tpu.memory_space<hbm>> -> memref<1x2048xf32, #tpu.memory_space<hbm>>
      %dma_start3A_252 = tpu.memref_squeeze %dma_start3A_251 : memref<1x2048xf32, #tpu.memory_space<hbm>> -> memref<2048xf32, #tpu.memory_space<hbm>>
      %dma_start3A_253 = arith.constant 0 : i32
      %dma_start3A_254 = tpu.memref_slice %arg4[%add3A_246, %dma_start3A_253] : memref<16384x2048xf32, #tpu.memory_space<hbm>> -> memref<1x2048xf32, #tpu.memory_space<hbm>>
      %dma_start3A_255 = tpu.memref_squeeze %dma_start3A_254 : memref<1x2048xf32, #tpu.memory_space<hbm>> -> memref<2048xf32, #tpu.memory_space<hbm>>
      %dma_start3A_256 = arith.constant 0 : i32
      %dma_start3A_257 = tpu.memref_slice %arg7[%squeeze3A_243, %dma_start3A_256] : memref<8x2048xf32, #tpu.memory_space<vmem>> -> memref<1x2048xf32, #tpu.memory_space<vmem>>
      %dma_start3A_258 = tpu.memref_squeeze %dma_start3A_257 : memref<1x2048xf32, #tpu.memory_space<vmem>> -> memref<2048xf32, #tpu.memory_space<vmem>>
      tpu.enqueue_dma source(%dma_start3A_258 : memref<2048xf32, #tpu.memory_space<vmem>>) target(%dma_start3A_255 : memref<2048xf32, #tpu.memory_space<hbm>>) target_semaphore(%arg9 : memref<!tpu.dma_semaphore, #tpu.memory_space<semaphore_mem>>)
      %slice3A_259 = vector.extract_strided_slice %get3A_22 {offsets = [14], sizes = [1], strides = [1]} : vector<16xi32> to vector<1xi32>
      %squeeze3A_260 = vector.extract %slice3A_259[0] : i32 from vector<1xi32>
      %add3A_261 = arith.addi %mul3A_2, %add3A_20 : i32
      %add3A_262 = arith.constant 14 : i32
      %add3A_263 = arith.addi %add3A_261, %add3A_262 : i32
      %dma_start3A_264 = arith.constant 0 : i32
      %dma_start3A_265 = tpu.memref_slice %arg7[%squeeze3A_260, %dma_start3A_264] : memref<8x2048xf32, #tpu.memory_space<vmem>> -> memref<1x2048xf32, #tpu.memory_space<vmem>>
      %dma_start3A_266 = tpu.memref_squeeze %dma_start3A_265 : memref<1x2048xf32, #tpu.memory_space<vmem>> -> memref<2048xf32, #tpu.memory_space<vmem>>
      %dma_start3A_267 = arith.constant 0 : i32
      %dma_start3A_268 = tpu.memref_slice %arg4[%add3A_263, %dma_start3A_267] : memref<16384x2048xf32, #tpu.memory_space<hbm>> -> memref<1x2048xf32, #tpu.memory_space<hbm>>
      %dma_start3A_269 = tpu.memref_squeeze %dma_start3A_268 : memref<1x2048xf32, #tpu.memory_space<hbm>> -> memref<2048xf32, #tpu.memory_space<hbm>>
      %dma_start3A_270 = arith.constant 0 : i32
      %dma_start3A_271 = tpu.memref_slice %arg4[%add3A_263, %dma_start3A_270] : memref<16384x2048xf32, #tpu.memory_space<hbm>> -> memref<1x2048xf32, #tpu.memory_space<hbm>>
      %dma_start3A_272 = tpu.memref_squeeze %dma_start3A_271 : memref<1x2048xf32, #tpu.memory_space<hbm>> -> memref<2048xf32, #tpu.memory_space<hbm>>
      %dma_start3A_273 = arith.constant 0 : i32
      %dma_start3A_274 = tpu.memref_slice %arg7[%squeeze3A_260, %dma_start3A_273] : memref<8x2048xf32, #tpu.memory_space<vmem>> -> memref<1x2048xf32, #tpu.memory_space<vmem>>
      %dma_start3A_275 = tpu.memref_squeeze %dma_start3A_274 : memref<1x2048xf32, #tpu.memory_space<vmem>> -> memref<2048xf32, #tpu.memory_space<vmem>>
      tpu.enqueue_dma source(%dma_start3A_275 : memref<2048xf32, #tpu.memory_space<vmem>>) target(%dma_start3A_272 : memref<2048xf32, #tpu.memory_space<hbm>>) target_semaphore(%arg9 : memref<!tpu.dma_semaphore, #tpu.memory_space<semaphore_mem>>)
      %slice3A_276 = vector.extract_strided_slice %get3A_22 {offsets = [15], sizes = [1], strides = [1]} : vector<16xi32> to vector<1xi32>
      %squeeze3A_277 = vector.extract %slice3A_276[0] : i32 from vector<1xi32>
      %add3A_278 = arith.addi %mul3A_2, %add3A_20 : i32
      %add3A_279 = arith.constant 15 : i32
      %add3A_280 = arith.addi %add3A_278, %add3A_279 : i32
      %dma_start3A_281 = arith.constant 0 : i32
      %dma_start3A_282 = tpu.memref_slice %arg7[%squeeze3A_277, %dma_start3A_281] : memref<8x2048xf32, #tpu.memory_space<vmem>> -> memref<1x2048xf32, #tpu.memory_space<vmem>>
      %dma_start3A_283 = tpu.memref_squeeze %dma_start3A_282 : memref<1x2048xf32, #tpu.memory_space<vmem>> -> memref<2048xf32, #tpu.memory_space<vmem>>
      %dma_start3A_284 = arith.constant 0 : i32
      %dma_start3A_285 = tpu.memref_slice %arg4[%add3A_280, %dma_start3A_284] : memref<16384x2048xf32, #tpu.memory_space<hbm>> -> memref<1x2048xf32, #tpu.memory_space<hbm>>
      %dma_start3A_286 = tpu.memref_squeeze %dma_start3A_285 : memref<1x2048xf32, #tpu.memory_space<hbm>> -> memref<2048xf32, #tpu.memory_space<hbm>>
      %dma_start3A_287 = arith.constant 0 : i32
      %dma_start3A_288 = tpu.memref_slice %arg4[%add3A_280, %dma_start3A_287] : memref<16384x2048xf32, #tpu.memory_space<hbm>> -> memref<1x2048xf32, #tpu.memory_space<hbm>>
      %dma_start3A_289 = tpu.memref_squeeze %dma_start3A_288 : memref<1x2048xf32, #tpu.memory_space<hbm>> -> memref<2048xf32, #tpu.memory_space<hbm>>
      %dma_start3A_290 = arith.constant 0 : i32
      %dma_start3A_291 = tpu.memref_slice %arg7[%squeeze3A_277, %dma_start3A_290] : memref<8x2048xf32, #tpu.memory_space<vmem>> -> memref<1x2048xf32, #tpu.memory_space<vmem>>
      %dma_start3A_292 = tpu.memref_squeeze %dma_start3A_291 : memref<1x2048xf32, #tpu.memory_space<vmem>> -> memref<2048xf32, #tpu.memory_space<vmem>>
      tpu.enqueue_dma source(%dma_start3A_292 : memref<2048xf32, #tpu.memory_space<vmem>>) target(%dma_start3A_289 : memref<2048xf32, #tpu.memory_space<hbm>>) target_semaphore(%arg9 : memref<!tpu.dma_semaphore, #tpu.memory_space<semaphore_mem>>)
    }
    %scan3A_8 = arith.constant 12 : i32
    %scan3A_9 = arith.constant 0 : i32
    %scan3A_10 = arith.constant 192 : i32
    %scan3A_11 = arith.addi %scan3A_9, %scan3A_10 : i32
    %scan3A_12 = arith.constant 1 : i32
    scf.for %scan3A_16 = %scan3A_9 to %scan3A_11 step %scan3A_12  : i32 {
      %mul3A_17 = arith.constant 1 : i32
      %mul3A_18 = arith.muli %scan3A_16, %mul3A_17 : i32
      %add3A_19 = arith.constant 0 : i32
      %add3A_20 = arith.addi %add3A_19, %mul3A_18 : i32
      %add3A_21 = arith.addi %mul3A_2, %add3A_20 : i32
      %dma_wait3A_22 = arith.constant 0 : i32
      %dma_wait3A_23 = arith.constant 0 : i32
      %dma_wait3A_24 = tpu.memref_slice %arg4[%add3A_21, %dma_wait3A_23] : memref<16384x2048xf32, #tpu.memory_space<hbm>> -> memref<1x2048xf32, #tpu.memory_space<hbm>>
      %dma_wait3A_25 = tpu.memref_squeeze %dma_wait3A_24 : memref<1x2048xf32, #tpu.memory_space<hbm>> -> memref<2048xf32, #tpu.memory_space<hbm>>
      %dma_wait3A_26 = arith.constant 0 : i32
      %dma_wait3A_27 = tpu.memref_slice %arg3[%dma_wait3A_22, %dma_wait3A_26] : memref<8x2048xf32, #tpu.memory_space<hbm>> -> memref<1x2048xf32, #tpu.memory_space<hbm>>
      %dma_wait3A_28 = tpu.memref_squeeze %dma_wait3A_27 : memref<1x2048xf32, #tpu.memory_space<hbm>> -> memref<2048xf32, #tpu.memory_space<hbm>>
      tpu.wait_dma2 semaphore(%arg9 : memref<!tpu.dma_semaphore, #tpu.memory_space<semaphore_mem>>) src(%dma_wait3A_28 : memref<2048xf32, #tpu.memory_space<hbm>>) dst(%dma_wait3A_25 : memref<2048xf32, #tpu.memory_space<hbm>>)
    }
    %scan3A_13 = arith.constant 192 : i32
    %eq3A = arith.constant 0 : i32
    %eq3A_14 = arith.cmpi eq, %add3A, %eq3A : i32
    %convert_element_type3A = arith.extui %eq3A_14 : i1 to i32
    %cond3A = arith.constant 0 : i32
    %cond3A_15 = arith.cmpi ne, %convert_element_type3A, %cond3A : i32
    scf.if %cond3A_15 {
      %dma_start3A_16 = arith.constant 0 : i32
      %dma_start3A_17 = tpu.memref_slice %arg6[%dma_start3A_16] : memref<192xi32, #tpu.memory_space<vmem>> -> memref<16xi32, #tpu.memory_space<vmem>>
      %dma_start3A_18 = arith.constant 0 : i32
      %dma_start3A_19 = tpu.memref_slice %arg6[%dma_start3A_18] : memref<192xi32, #tpu.memory_space<vmem>> -> memref<16xi32, #tpu.memory_space<vmem>>
      tpu.enqueue_dma source(%dma_start3A_19 : memref<16xi32, #tpu.memory_space<vmem>>) target(%arg5 : memref<16xi32, #tpu.memory_space<hbm>>) target_semaphore(%arg8 : memref<!tpu.dma_semaphore, #tpu.memory_space<semaphore_mem>>)
      %dma_wait3A_20 = arith.constant 0 : i32
      %dma_wait3A_21 = tpu.memref_slice %arg6[%dma_wait3A_20] : memref<192xi32, #tpu.memory_space<vmem>> -> memref<16xi32, #tpu.memory_space<vmem>>
      %dma_wait3A_22 = arith.constant 0 : i32
      %dma_wait3A_23 = tpu.memref_slice %arg6[%dma_wait3A_22] : memref<192xi32, #tpu.memory_space<vmem>> -> memref<16xi32, #tpu.memory_space<vmem>>
      tpu.wait_dma2 semaphore(%arg8 : memref<!tpu.dma_semaphore, #tpu.memory_space<semaphore_mem>>) src(%dma_wait3A_23 : memref<16xi32, #tpu.memory_space<vmem>>) dst(%arg5 : memref<16xi32, #tpu.memory_space<hbm>>)
    } else {
    }
    return
  }
}

module attributes {stable_mosaic.version = 14 : i64} {
  func.func @_alloc_body(%arg0: memref<8x128xf32, #tpu.memory_space<vmem>>, %arg1: memref<16384x2048xf32, #tpu.memory_space<any>>) attributes {dimension_semantics = [], scalar_prefetch = 0 : i64, scratch_operands = 0 : i64, tpu.core_type = #tpu.core_type<tc>} {
    %broadcast_in_dim3A = arith.constant 0.000000e+00 : f32
    %broadcast_in_dim3A_0 = vector.broadcast %broadcast_in_dim3A : f32 to vector<8x128xf32>
    %swap3A = arith.constant 0 : index
    %swap3A_1 = arith.constant 0 : index
    %swap3A_2 = vector.load %arg0[%swap3A, %swap3A_1] : memref<8x128xf32, #tpu.memory_space<vmem>>, vector<8x128xf32>
    tpu.vector_store %arg0[%swap3A, %swap3A_1], %broadcast_in_dim3A_0 {strides = array<i32>} : memref<8x128xf32, #tpu.memory_space<vmem>>, vector<8x128xf32>,
    return
  }
}

module attributes {stable_mosaic.version = 14 : i64} {
  func.func @_final_body(%arg0: memref<16384x2048xf32, #tpu.memory_space<any>>, %arg1: memref<8x128xf32, #tpu.memory_space<vmem>>, %arg2: memref<16xi32, #tpu.memory_space<smem>>, %arg3: memref<16384x2048xf32, #tpu.memory_space<any>>) attributes {dimension_semantics = [], scalar_prefetch = 0 : i64, scratch_operands = 0 : i64, tpu.core_type = #tpu.core_type<tc>} {
    return
  }
}

module attributes {stable_mosaic.version = 14 : i64} {
  func.func @_tc_writer_body(%arg0: memref<32x1x512xi32, #tpu.memory_space<any>>, %arg1: memref<16384x2048xf32, #tpu.memory_space<any>>, %arg2: memref<8x128xf32, #tpu.memory_space<vmem>>) attributes {dimension_semantics = [], scalar_prefetch = 0 : i64, scratch_operands = 0 : i64, tpu.core_type = #tpu.core_type<tc>} {
    %broadcast_in_dim3A = arith.constant 0.000000e+00 : f32
    %broadcast_in_dim3A_0 = vector.broadcast %broadcast_in_dim3A : f32 to vector<8x128xf32>
    %swap3A = arith.constant 0 : index
    %swap3A_1 = arith.constant 0 : index
    %swap3A_2 = vector.load %arg2[%swap3A, %swap3A_1] : memref<8x128xf32, #tpu.memory_space<vmem>>, vector<8x128xf32>
    tpu.vector_store %arg2[%swap3A, %swap3A_1], %broadcast_in_dim3A_0 {strides = array<i32>} : memref<8x128xf32, #tpu.memory_space<vmem>>, vector<8x128xf32>,
    "tpu.region"() ({
      %run_scoped3A = memref.alloca() : memref<2x1x1x512xi32, #tpu.memory_space<vmem>>
      %run_scoped3A_3 = tpu.sem_alloc : memref<2x!tpu.dma_semaphore, #tpu.memory_space<semaphore_mem>>
      %run_scoped3A_4 = memref.alloca() : memref<2x512x2048xf32, #tpu.memory_space<vmem>>
      %run_scoped3A_5 = tpu.sem_alloc : memref<2x!tpu.dma_semaphore, #tpu.memory_space<semaphore_mem>>
      %select_n3A = arith.constant true
      %select_n3A_6 = arith.constant 0 : i32
      %select_n3A_7 = arith.constant -1 : i32
      %select_n3A_8 = arith.select %select_n3A, %select_n3A_7, %select_n3A_6 : i32
      %eq3A = arith.constant -1 : i32
      %eq3A_9 = arith.cmpi eq, %select_n3A_8, %eq3A : i32
      %select_n3A_10 = arith.constant 19 : i32
      %select_n3A_11 = arith.select %eq3A_9, %select_n3A_10, %select_n3A_8 : i32
      %add3A = arith.constant 0 : i32
      %add3A_12 = arith.addi %select_n3A_11, %add3A : i32
      %select_n3A_13 = arith.constant true
      %select_n3A_14 = arith.constant 0 : i32
      %select_n3A_15 = arith.constant 1 : i32
      %select_n3A_16 = arith.select %select_n3A_13, %select_n3A_15, %select_n3A_14 : i32
      %eq3A_17 = arith.constant 20 : i32
      %eq3A_18 = arith.cmpi eq, %select_n3A_16, %eq3A_17 : i32
      %select_n3A_19 = arith.constant 0 : i32
      %select_n3A_20 = arith.select %eq3A_18, %select_n3A_19, %select_n3A_16 : i32
      %add3A_21 = arith.constant 0 : i32
      %add3A_22 = arith.addi %select_n3A_20, %add3A_21 : i32
      %add3A_23 = arith.constant 1 : i32
      %add3A_24 = arith.addi %select_n3A_20, %add3A_23 : i32
      %select_n3A_25 = arith.constant true
      %select_n3A_26 = arith.select %select_n3A_25, %add3A_24, %select_n3A_20 : i32
      %eq3A_27 = arith.constant 20 : i32
      %eq3A_28 = arith.cmpi eq, %select_n3A_26, %eq3A_27 : i32
      %select_n3A_29 = arith.constant 0 : i32
      %select_n3A_30 = arith.select %eq3A_28, %select_n3A_29, %select_n3A_26 : i32
      %add3A_31 = arith.constant 0 : i32
      %add3A_32 = arith.addi %select_n3A_30, %add3A_31 : i32
      "tpu.trace_start"() <{level = 10 : i32, message = "ep_initialize_0"}> : () -> ()
      %rem3A = arith.constant 0 : i32
      %rem3A_33 = arith.constant 2 : i32
      %rem3A_34 = arith.remui %rem3A, %rem3A_33 : i32
      %dma_start3A = tpu.memref_slice %run_scoped3A_3[%rem3A_34] : memref<2x!tpu.dma_semaphore, #tpu.memory_space<semaphore_mem>> -> memref<1x!tpu.dma_semaphore, #tpu.memory_space<semaphore_mem>>
      %dma_start3A_35 = tpu.memref_squeeze %dma_start3A : memref<1x!tpu.dma_semaphore, #tpu.memory_space<semaphore_mem>> -> memref<!tpu.dma_semaphore, #tpu.memory_space<semaphore_mem>>
      %dma_start3A_36 = arith.constant 0 : i32
      %dma_start3A_37 = arith.constant 0 : i32
      %dma_start3A_38 = arith.constant 0 : i32
      %dma_start3A_39 = tpu.memref_slice %run_scoped3A[%rem3A_34, %dma_start3A_36, %dma_start3A_37, %dma_start3A_38] : memref<2x1x1x512xi32, #tpu.memory_space<vmem>> -> memref<1x1x1x512xi32, #tpu.memory_space<vmem>>
      %dma_start3A_40 = tpu.memref_squeeze %dma_start3A_39 : memref<1x1x1x512xi32, #tpu.memory_space<vmem>> -> memref<1x1x512xi32, #tpu.memory_space<vmem>>
      %dma_start3A_41 = arith.constant 12 : i32
      %dma_start3A_42 = arith.constant 0 : i32
      %dma_start3A_43 = arith.constant 0 : i32
      %dma_start3A_44 = tpu.memref_slice %arg0[%dma_start3A_41, %dma_start3A_42, %dma_start3A_43] : memref<32x1x512xi32, #tpu.memory_space<any>> -> memref<1x1x512xi32, #tpu.memory_space<any>>
      tpu.enqueue_dma source(%dma_start3A_44 : memref<1x1x512xi32, #tpu.memory_space<any>>) target(%dma_start3A_40 : memref<1x1x512xi32, #tpu.memory_space<vmem>>) target_semaphore(%dma_start3A_35 : memref<!tpu.dma_semaphore, #tpu.memory_space<semaphore_mem>>)
      %add3A_45 = arith.constant 0 : i32
      %add3A_46 = arith.constant 1 : i32
      %add3A_47 = arith.addi %add3A_45, %add3A_46 : i32
      %select_n3A_48 = arith.constant true
      %select_n3A_49 = arith.constant 0 : i32
      %select_n3A_50 = arith.select %select_n3A_48, %add3A_47, %select_n3A_49 : i32
      "tpu.trace_stop"() : () -> ()
      %scan3A = arith.constant 0 : i32
      %scan3A_51 = arith.constant 0 : i32
      %scan3A_52 = arith.constant 0 : i32
      %scan3A_53 = arith.constant 0 : i32
      %scan3A_54 = arith.constant 0 : i32
      %scan3A_55 = arith.constant 20 : i32
      %scan3A_56 = arith.addi %scan3A_54, %scan3A_55 : i32
      %scan3A_57 = arith.constant 1 : i32
      %scan3A_58:5 = scf.for %scan3A_111 = %scan3A_54 to %scan3A_56 step %scan3A_57 iter_args(%scan3A_112 = %select_n3A_50, %scan3A_113 = %scan3A, %scan3A_114 = %scan3A_51, %scan3A_115 = %scan3A_52, %scan3A_116 = %scan3A_53) -> (i32, i32, i32, i32, i32)  : i32 {
        %eq3A_117 = arith.constant 0 : i32
        %eq3A_118 = arith.cmpi eq, %scan3A_111, %eq3A_117 : i32
        %eq3A_119 = arith.constant 19 : i32
        %eq3A_120 = arith.cmpi eq, %scan3A_111, %eq3A_119 : i32
        %add3A_121 = arith.constant 0 : i32
        %add3A_122 = arith.addi %scan3A_116, %add3A_121 : i32
        %sub3A_123 = arith.constant 1 : i32
        %sub3A_124 = arith.subi %scan3A_116, %sub3A_123 : i32
        %select_n3A_125 = arith.constant true
        %select_n3A_126 = arith.select %select_n3A_125, %sub3A_124, %scan3A_116 : i32
        %eq3A_127 = arith.constant -1 : i32
        %eq3A_128 = arith.cmpi eq, %select_n3A_126, %eq3A_127 : i32
        %select_n3A_129 = arith.constant 19 : i32
        %select_n3A_130 = arith.select %eq3A_128, %select_n3A_129, %select_n3A_126 : i32
        %add3A_131 = arith.constant 0 : i32
        %add3A_132 = arith.addi %select_n3A_130, %add3A_131 : i32
        %add3A_133 = arith.constant 1 : i32
        %add3A_134 = arith.addi %scan3A_116, %add3A_133 : i32
        %select_n3A_135 = arith.constant true
        %select_n3A_136 = arith.select %select_n3A_135, %add3A_134, %scan3A_116 : i32
        %eq3A_137 = arith.constant 20 : i32
        %eq3A_138 = arith.cmpi eq, %select_n3A_136, %eq3A_137 : i32
        %select_n3A_139 = arith.constant 0 : i32
        %select_n3A_140 = arith.select %eq3A_138, %select_n3A_139, %select_n3A_136 : i32
        %add3A_141 = arith.constant 0 : i32
        %add3A_142 = arith.addi %select_n3A_140, %add3A_141 : i32
        %add3A_143 = arith.constant 1 : i32
        %add3A_144 = arith.addi %select_n3A_140, %add3A_143 : i32
        %select_n3A_145 = arith.constant true
        %select_n3A_146 = arith.select %select_n3A_145, %add3A_144, %select_n3A_140 : i32
        %eq3A_147 = arith.constant 20 : i32
        %eq3A_148 = arith.cmpi eq, %select_n3A_146, %eq3A_147 : i32
        %select_n3A_149 = arith.constant 0 : i32
        %select_n3A_150 = arith.select %eq3A_148, %select_n3A_149, %select_n3A_146 : i32
        %add3A_151 = arith.constant 0 : i32
        %add3A_152 = arith.addi %select_n3A_150, %add3A_151 : i32
        %add3A_153 = arith.constant 12 : i32
        %add3A_154 = arith.addi %add3A_153, %add3A_122 : i32
        %add3A_155 = arith.constant 12 : i32
        %add3A_156 = arith.addi %add3A_155, %add3A_142 : i32
        %ne3A = arith.cmpi ne, %add3A_154, %add3A_156 : i32
        %or3A = arith.constant false
        %or3A_157 = arith.ori %or3A, %ne3A : i1
        %or3A_158 = arith.constant false
        %or3A_159 = arith.ori %or3A_157, %or3A_158 : i1
        %or3A_160 = arith.constant false
        %or3A_161 = arith.ori %or3A_159, %or3A_160 : i1
        %ge3A = arith.constant 19 : i32
        %ge3A_162 = arith.cmpi sge, %scan3A_111, %ge3A : i32
        %not3A = arith.constant true
        %not3A_163 = arith.xori %ge3A_162, %not3A : i1
        %and3A = arith.andi %or3A_161, %not3A_163 : i1
        %convert_element_type3A = arith.extui %and3A : i1 to i32
        %cond3A = arith.constant 0 : i32
        %cond3A_164 = arith.cmpi ne, %convert_element_type3A, %cond3A : i32
        scf.if %cond3A_164 {
          "tpu.trace_start"() <{level = 10 : i32, message = "ep_copy_in"}> : () -> ()
          %rem3A_345 = arith.constant 2 : i32
          %rem3A_346 = arith.remui %scan3A_112, %rem3A_345 : i32
          %add3A_347 = arith.constant 12 : i32
          %add3A_348 = arith.addi %add3A_347, %add3A_142 : i32
          %mul3A_349 = arith.constant 1 : i32
          %mul3A_350 = arith.muli %mul3A_349, %add3A_348 : i32
          %dma_start3A_351 = tpu.memref_slice %run_scoped3A_3[%rem3A_346] : memref<2x!tpu.dma_semaphore, #tpu.memory_space<semaphore_mem>> -> memref<1x!tpu.dma_semaphore, #tpu.memory_space<semaphore_mem>>
          %dma_start3A_352 = tpu.memref_squeeze %dma_start3A_351 : memref<1x!tpu.dma_semaphore, #tpu.memory_space<semaphore_mem>> -> memref<!tpu.dma_semaphore, #tpu.memory_space<semaphore_mem>>
          %dma_start3A_353 = arith.constant 0 : i32
          %dma_start3A_354 = arith.constant 0 : i32
          %dma_start3A_355 = arith.constant 0 : i32
          %dma_start3A_356 = tpu.memref_slice %run_scoped3A[%rem3A_346, %dma_start3A_353, %dma_start3A_354, %dma_start3A_355] : memref<2x1x1x512xi32, #tpu.memory_space<vmem>> -> memref<1x1x1x512xi32, #tpu.memory_space<vmem>>
          %dma_start3A_357 = tpu.memref_squeeze %dma_start3A_356 : memref<1x1x1x512xi32, #tpu.memory_space<vmem>> -> memref<1x1x512xi32, #tpu.memory_space<vmem>>
          %dma_start3A_358 = arith.constant 0 : i32
          %dma_start3A_359 = arith.constant 0 : i32
          %dma_start3A_360 = tpu.memref_slice %arg0[%mul3A_350, %dma_start3A_358, %dma_start3A_359] : memref<32x1x512xi32, #tpu.memory_space<any>> -> memref<1x1x512xi32, #tpu.memory_space<any>>
          tpu.enqueue_dma source(%dma_start3A_360 : memref<1x1x512xi32, #tpu.memory_space<any>>) target(%dma_start3A_357 : memref<1x1x512xi32, #tpu.memory_space<vmem>>) target_semaphore(%dma_start3A_352 : memref<!tpu.dma_semaphore, #tpu.memory_space<semaphore_mem>>)
          "tpu.trace_stop"() : () -> ()
        } else {
        }
        %and3A_165 = arith.constant true
        %and3A_166 = arith.andi %and3A, %and3A_165 : i1
        %add3A_167 = arith.constant 1 : i32
        %add3A_168 = arith.addi %scan3A_112, %add3A_167 : i32
        %select_n3A_169 = arith.select %and3A_166, %add3A_168, %scan3A_112 : i32
        %add3A_170 = arith.constant 12 : i32
        %add3A_171 = arith.addi %add3A_170, %add3A_122 : i32
        %add3A_172 = arith.constant 12 : i32
        %add3A_173 = arith.addi %add3A_172, %add3A_142 : i32
        %ne3A_174 = arith.cmpi ne, %add3A_171, %add3A_173 : i32
        %or3A_175 = arith.constant false
        %or3A_176 = arith.ori %or3A_175, %ne3A_174 : i1
        %or3A_177 = arith.constant false
        %or3A_178 = arith.ori %or3A_176, %or3A_177 : i1
        %ge3A_179 = arith.constant 19 : i32
        %ge3A_180 = arith.cmpi sge, %scan3A_111, %ge3A_179 : i32
        %not3A_181 = arith.constant true
        %not3A_182 = arith.xori %ge3A_180, %not3A_181 : i1
        %and3A_183 = arith.andi %or3A_178, %not3A_182 : i1
        %add3A_184 = arith.constant 12 : i32
        %add3A_185 = arith.addi %add3A_184, %add3A_122 : i32
        %add3A_186 = arith.constant 12 : i32
        %add3A_187 = arith.addi %add3A_186, %add3A_132 : i32
        %ne3A_188 = arith.cmpi ne, %add3A_185, %add3A_187 : i32
        %or3A_189 = arith.constant false
        %or3A_190 = arith.ori %or3A_189, %ne3A_188 : i1
        %or3A_191 = arith.constant false
        %or3A_192 = arith.ori %or3A_190, %or3A_191 : i1
        %or3A_193 = arith.constant false
        %or3A_194 = arith.ori %or3A_192, %or3A_193 : i1
        %or3A_195 = arith.ori %or3A_194, %eq3A_118 : i1
        %convert_element_type3A_196 = arith.extui %or3A_195 : i1 to i32
        %cond3A_197 = arith.constant 0 : i32
        %cond3A_198 = arith.cmpi ne, %convert_element_type3A_196, %cond3A_197 : i32
        scf.if %cond3A_198 {
          "tpu.trace_start"() <{level = 10 : i32, message = "ep_wait_in"}> : () -> ()
          %add3A_345 = arith.constant 12 : i32
          %add3A_346 = arith.addi %add3A_345, %add3A_122 : i32
          %mul3A_347 = arith.constant 1 : i32
          %mul3A_348 = arith.muli %mul3A_347, %add3A_346 : i32
          %rem3A_349 = arith.constant 2 : i32
          %rem3A_350 = arith.remui %scan3A_113, %rem3A_349 : i32
          %dma_wait3A_351 = tpu.memref_slice %run_scoped3A_3[%rem3A_350] : memref<2x!tpu.dma_semaphore, #tpu.memory_space<semaphore_mem>> -> memref<1x!tpu.dma_semaphore, #tpu.memory_space<semaphore_mem>>
          %dma_wait3A_352 = tpu.memref_squeeze %dma_wait3A_351 : memref<1x!tpu.dma_semaphore, #tpu.memory_space<semaphore_mem>> -> memref<!tpu.dma_semaphore, #tpu.memory_space<semaphore_mem>>
          %dma_wait3A_353 = arith.constant 0 : i32
          %dma_wait3A_354 = arith.constant 0 : i32
          %dma_wait3A_355 = arith.constant 0 : i32
          %dma_wait3A_356 = tpu.memref_slice %run_scoped3A[%rem3A_350, %dma_wait3A_353, %dma_wait3A_354, %dma_wait3A_355] : memref<2x1x1x512xi32, #tpu.memory_space<vmem>> -> memref<1x1x1x512xi32, #tpu.memory_space<vmem>>
          %dma_wait3A_357 = tpu.memref_squeeze %dma_wait3A_356 : memref<1x1x1x512xi32, #tpu.memory_space<vmem>> -> memref<1x1x512xi32, #tpu.memory_space<vmem>>
          %dma_wait3A_358 = arith.constant 0 : i32
          %dma_wait3A_359 = arith.constant 0 : i32
          %dma_wait3A_360 = tpu.memref_slice %arg0[%mul3A_348, %dma_wait3A_358, %dma_wait3A_359] : memref<32x1x512xi32, #tpu.memory_space<any>> -> memref<1x1x512xi32, #tpu.memory_space<any>>
          tpu.wait_dma2 semaphore(%dma_wait3A_352 : memref<!tpu.dma_semaphore, #tpu.memory_space<semaphore_mem>>) src(%dma_wait3A_360 : memref<1x1x512xi32, #tpu.memory_space<any>>) dst(%dma_wait3A_357 : memref<1x1x512xi32, #tpu.memory_space<vmem>>)
          "tpu.trace_stop"() : () -> ()
        } else {
        }
        %add3A_199 = arith.constant 12 : i32
        %add3A_200 = arith.addi %add3A_199, %add3A_122 : i32
        %add3A_201 = arith.constant 12 : i32
        %add3A_202 = arith.addi %add3A_201, %add3A_132 : i32
        %ne3A_203 = arith.cmpi ne, %add3A_200, %add3A_202 : i32
        %or3A_204 = arith.constant false
        %or3A_205 = arith.ori %or3A_204, %ne3A_203 : i1
        %or3A_206 = arith.constant false
        %or3A_207 = arith.ori %or3A_205, %or3A_206 : i1
        %or3A_208 = arith.ori %or3A_207, %eq3A_118 : i1
        %convert_element_type3A_209 = arith.extui %or3A_208 : i1 to i32
        %cond3A_210 = arith.constant 0 : i32
        %cond3A_211 = arith.cmpi ne, %convert_element_type3A_209, %cond3A_210 : i32
        scf.if %cond3A_211 {
        } else {
        }
        %rem3A_212 = arith.constant 2 : i32
        %rem3A_213 = arith.remui %scan3A_113, %rem3A_212 : i32
        %rem3A_214 = arith.constant 2 : i32
        %rem3A_215 = arith.remui %scan3A_114, %rem3A_214 : i32
        "tpu.trace_start"() <{level = 10 : i32, message = "ep_run_kernel"}> : () -> ()
        %get3A = arith.constant 0 : i32
        %get3A_216 = arith.constant 0 : i32
        %get3A_217 = arith.constant 0 : i32
        %get3A_218 = tpu.memref_slice %run_scoped3A[%rem3A_213, %get3A, %get3A_216, %get3A_217] : memref<2x1x1x512xi32, #tpu.memory_space<vmem>> -> memref<1x1x1x512xi32, #tpu.memory_space<vmem>>
        %get3A_219 = tpu.memref_squeeze %get3A_218 : memref<1x1x1x512xi32, #tpu.memory_space<vmem>> -> memref<1x1x512xi32, #tpu.memory_space<vmem>>
        %get3A_220 = arith.constant 0 : index
        %get3A_221 = arith.constant 0 : index
        %get3A_222 = arith.constant 0 : index
        %get3A_223 = vector.load %get3A_219[%get3A_220, %get3A_221, %get3A_222] : memref<1x1x512xi32, #tpu.memory_space<vmem>>, vector<1x1x512xi32>
        %get3A_224 = vector.shape_cast %get3A_223 : vector<1x1x512xi32> to vector<512xi32>
        %reshape3A = vector.shape_cast %get3A_224 : vector<512xi32> to vector<512x1xi32>
        %mul3A_225 = arith.constant 292 : i32
        %mul3A_226 = vector.broadcast %mul3A_225 : i32 to vector<512x1xi32>
        %mul3A_227 = arith.muli %reshape3A, %mul3A_226 : vector<512x1xi32>
        %eq3A_228 = arith.constant 6 : i32
        %eq3A_229 = vector.broadcast %eq3A_228 : i32 to vector<512x1xi32>
        %eq3A_230 = arith.cmpi eq, %reshape3A, %eq3A_229 : vector<512x1xi32>
        %add3A_231 = arith.constant 292 : i32
        %add3A_232 = vector.broadcast %add3A_231 : i32 to vector<512x1xi32>
        %add3A_233 = arith.addi %mul3A_227, %add3A_232 : vector<512x1xi32>
        %jit3A = arith.constant 2048 : i32
        %broadcast_in_dim3A_234 = vector.broadcast %jit3A : i32 to vector<512x1xi32>
        %select_n3A_235 = arith.select %eq3A_230, %broadcast_in_dim3A_234, %add3A_233 : vector<512x1xi1>, vector<512x1xi32>
        %iota3A = tpu.iota {dimensions = array<i32: 1>} : vector<512x2048xi32>
        %ge3A_236 = vector.broadcast %mul3A_227 : vector<512x1xi32> to vector<512x2048xi32>
        %ge3A_237 = arith.cmpi sge, %iota3A, %ge3A_236 : vector<512x2048xi32>
        %lt3A = vector.broadcast %select_n3A_235 : vector<512x1xi32> to vector<512x2048xi32>
        %lt3A_238 = arith.cmpi slt, %iota3A, %lt3A : vector<512x2048xi32>
        %and3A_239 = arith.andi %ge3A_237, %lt3A_238 : vector<512x2048xi1>
        %convert_element_type3A_240 = arith.extui %and3A_239 : vector<512x2048xi1> to vector<512x2048xi32>
        %convert_element_type3A_241 = arith.sitofp %convert_element_type3A_240 : vector<512x2048xi32> to vector<512x2048xf32>
        %swap3A_242 = arith.index_cast %rem3A_215 : i32 to index
        %swap3A_243 = arith.constant 0 : index
        %swap3A_244 = arith.constant 0 : index
        %swap3A_245 = vector.load %run_scoped3A_4[%swap3A_242, %swap3A_243, %swap3A_244] : memref<2x512x2048xf32, #tpu.memory_space<vmem>>, vector<1x512x2048xf32>
        %swap3A_246 = vector.shape_cast %swap3A_245 : vector<1x512x2048xf32> to vector<512x2048xf32>
        %swap3A_247 = vector.shape_cast %convert_element_type3A_241 : vector<512x2048xf32> to vector<1x512x2048xf32>
        tpu.vector_store %run_scoped3A_4[%swap3A_242, %swap3A_243, %swap3A_244], %swap3A_247 {strides = array<i32>} : memref<2x512x2048xf32, #tpu.memory_space<vmem>>, vector<1x512x2048xf32>,
        "tpu.trace_stop"() : () -> ()
        %add3A_248 = arith.constant 12 : i32
        %add3A_249 = arith.addi %add3A_248, %add3A_122 : i32
        %add3A_250 = arith.constant 12 : i32
        %add3A_251 = arith.addi %add3A_250, %add3A_142 : i32
        %ne3A_252 = arith.cmpi ne, %add3A_249, %add3A_251 : i32
        %or3A_253 = arith.constant false
        %or3A_254 = arith.ori %or3A_253, %ne3A_252 : i1
        %or3A_255 = arith.constant false
        %or3A_256 = arith.ori %or3A_254, %or3A_255 : i1
        %or3A_257 = arith.constant false
        %or3A_258 = arith.ori %or3A_256, %or3A_257 : i1
        %or3A_259 = arith.ori %or3A_258, %eq3A_120 : i1
        %convert_element_type3A_260 = arith.extui %or3A_259 : i1 to i32
        %cond3A_261 = arith.constant 0 : i32
        %cond3A_262 = arith.cmpi ne, %convert_element_type3A_260, %cond3A_261 : i32
        scf.if %cond3A_262 {
        } else {
        }
        %and3A_263 = arith.constant false
        %and3A_264 = arith.andi %or3A_259, %and3A_263 : i1
        %add3A_265 = arith.constant 12 : i32
        %add3A_266 = arith.addi %add3A_265, %add3A_122 : i32
        %add3A_267 = arith.constant 12 : i32
        %add3A_268 = arith.addi %add3A_267, %add3A_142 : i32
        %ne3A_269 = arith.cmpi ne, %add3A_266, %add3A_268 : i32
        %or3A_270 = arith.constant false
        %or3A_271 = arith.ori %or3A_270, %ne3A_269 : i1
        %or3A_272 = arith.constant false
        %or3A_273 = arith.ori %or3A_271, %or3A_272 : i1
        %or3A_274 = arith.ori %or3A_273, %eq3A_120 : i1
        %convert_element_type3A_275 = arith.extui %or3A_274 : i1 to i32
        %cond3A_276 = arith.constant 0 : i32
        %cond3A_277 = arith.cmpi ne, %convert_element_type3A_275, %cond3A_276 : i32
        scf.if %cond3A_277 {
          "tpu.trace_start"() <{level = 10 : i32, message = "ep_copy_out"}> : () -> ()
          %rem3A_345 = arith.constant 2 : i32
          %rem3A_346 = arith.remui %scan3A_114, %rem3A_345 : i32
          %add3A_347 = arith.constant 12 : i32
          %add3A_348 = arith.addi %add3A_347, %add3A_122 : i32
          %mul3A_349 = arith.constant 512 : i32
          %mul3A_350 = arith.muli %mul3A_349, %add3A_348 : i32
          %dma_start3A_351 = tpu.memref_slice %run_scoped3A_5[%rem3A_346] : memref<2x!tpu.dma_semaphore, #tpu.memory_space<semaphore_mem>> -> memref<1x!tpu.dma_semaphore, #tpu.memory_space<semaphore_mem>>
          %dma_start3A_352 = tpu.memref_squeeze %dma_start3A_351 : memref<1x!tpu.dma_semaphore, #tpu.memory_space<semaphore_mem>> -> memref<!tpu.dma_semaphore, #tpu.memory_space<semaphore_mem>>
          %dma_start3A_353 = arith.constant 0 : i32
          %dma_start3A_354 = tpu.memref_slice %arg1[%mul3A_350, %dma_start3A_353] : memref<16384x2048xf32, #tpu.memory_space<any>> -> memref<512x2048xf32, #tpu.memory_space<any>>
          %dma_start3A_355 = arith.constant 0 : i32
          %dma_start3A_356 = arith.constant 0 : i32
          %dma_start3A_357 = tpu.memref_slice %run_scoped3A_4[%rem3A_346, %dma_start3A_355, %dma_start3A_356] : memref<2x512x2048xf32, #tpu.memory_space<vmem>> -> memref<1x512x2048xf32, #tpu.memory_space<vmem>>
          %dma_start3A_358 = tpu.memref_squeeze %dma_start3A_357 : memref<1x512x2048xf32, #tpu.memory_space<vmem>> -> memref<512x2048xf32, #tpu.memory_space<vmem>>
          tpu.enqueue_dma source(%dma_start3A_358 : memref<512x2048xf32, #tpu.memory_space<vmem>>) target(%dma_start3A_354 : memref<512x2048xf32, #tpu.memory_space<any>>) target_semaphore(%dma_start3A_352 : memref<!tpu.dma_semaphore, #tpu.memory_space<semaphore_mem>>)
          "tpu.trace_stop"() : () -> ()
        } else {
        }
        %and3A_278 = arith.constant true
        %and3A_279 = arith.andi %or3A_274, %and3A_278 : i1
        %add3A_280 = arith.constant 1 : i32
        %add3A_281 = arith.addi %scan3A_114, %add3A_280 : i32
        %select_n3A_282 = arith.select %and3A_279, %add3A_281, %scan3A_114 : i32
        %add3A_283 = arith.constant 12 : i32
        %add3A_284 = arith.addi %add3A_283, %add3A_122 : i32
        %add3A_285 = arith.constant 12 : i32
        %add3A_286 = arith.addi %add3A_285, %add3A_132 : i32
        %ne3A_287 = arith.cmpi ne, %add3A_284, %add3A_286 : i32
        %or3A_288 = arith.constant false
        %or3A_289 = arith.ori %or3A_288, %ne3A_287 : i1
        %or3A_290 = arith.constant false
        %or3A_291 = arith.ori %or3A_289, %or3A_290 : i1
        %or3A_292 = arith.constant false
        %or3A_293 = arith.ori %or3A_291, %or3A_292 : i1
        %not3A_294 = arith.constant true
        %not3A_295 = arith.xori %eq3A_118, %not3A_294 : i1
        %and3A_296 = arith.andi %or3A_293, %not3A_295 : i1
        %convert_element_type3A_297 = arith.extui %and3A_296 : i1 to i32
        %cond3A_298 = arith.constant 0 : i32
        %cond3A_299 = arith.cmpi ne, %convert_element_type3A_297, %cond3A_298 : i32
        scf.if %cond3A_299 {
        } else {
        }
        %and3A_300 = arith.constant false
        %and3A_301 = arith.andi %and3A_296, %and3A_300 : i1
        %add3A_302 = arith.constant 12 : i32
        %add3A_303 = arith.addi %add3A_302, %add3A_122 : i32
        %add3A_304 = arith.constant 12 : i32
        %add3A_305 = arith.addi %add3A_304, %add3A_132 : i32
        %ne3A_306 = arith.cmpi ne, %add3A_303, %add3A_305 : i32
        %or3A_307 = arith.constant false
        %or3A_308 = arith.ori %or3A_307, %ne3A_306 : i1
        %or3A_309 = arith.constant false
        %or3A_310 = arith.ori %or3A_308, %or3A_309 : i1
        %not3A_311 = arith.constant true
        %not3A_312 = arith.xori %eq3A_118, %not3A_311 : i1
        %and3A_313 = arith.andi %or3A_310, %not3A_312 : i1
        %convert_element_type3A_314 = arith.extui %and3A_313 : i1 to i32
        %cond3A_315 = arith.constant 0 : i32
        %cond3A_316 = arith.cmpi ne, %convert_element_type3A_314, %cond3A_315 : i32
        scf.if %cond3A_316 {
          "tpu.trace_start"() <{level = 10 : i32, message = "ep_wait_out"}> : () -> ()
          %rem3A_345 = arith.constant 2 : i32
          %rem3A_346 = arith.remui %scan3A_115, %rem3A_345 : i32
          %add3A_347 = arith.constant 12 : i32
          %add3A_348 = arith.addi %add3A_347, %add3A_132 : i32
          %mul3A_349 = arith.constant 512 : i32
          %mul3A_350 = arith.muli %mul3A_349, %add3A_348 : i32
          %dma_wait3A_351 = tpu.memref_slice %run_scoped3A_5[%rem3A_346] : memref<2x!tpu.dma_semaphore, #tpu.memory_space<semaphore_mem>> -> memref<1x!tpu.dma_semaphore, #tpu.memory_space<semaphore_mem>>
          %dma_wait3A_352 = tpu.memref_squeeze %dma_wait3A_351 : memref<1x!tpu.dma_semaphore, #tpu.memory_space<semaphore_mem>> -> memref<!tpu.dma_semaphore, #tpu.memory_space<semaphore_mem>>
          %dma_wait3A_353 = arith.constant 0 : i32
          %dma_wait3A_354 = tpu.memref_slice %arg1[%mul3A_350, %dma_wait3A_353] : memref<16384x2048xf32, #tpu.memory_space<any>> -> memref<512x2048xf32, #tpu.memory_space<any>>
          %dma_wait3A_355 = arith.constant 0 : i32
          %dma_wait3A_356 = arith.constant 0 : i32
          %dma_wait3A_357 = tpu.memref_slice %run_scoped3A_4[%rem3A_346, %dma_wait3A_355, %dma_wait3A_356] : memref<2x512x2048xf32, #tpu.memory_space<vmem>> -> memref<1x512x2048xf32, #tpu.memory_space<vmem>>
          %dma_wait3A_358 = tpu.memref_squeeze %dma_wait3A_357 : memref<1x512x2048xf32, #tpu.memory_space<vmem>> -> memref<512x2048xf32, #tpu.memory_space<vmem>>
          tpu.wait_dma2 semaphore(%dma_wait3A_352 : memref<!tpu.dma_semaphore, #tpu.memory_space<semaphore_mem>>) src(%dma_wait3A_358 : memref<512x2048xf32, #tpu.memory_space<vmem>>) dst(%dma_wait3A_354 : memref<512x2048xf32, #tpu.memory_space<any>>)
          "tpu.trace_stop"() : () -> ()
        } else {
        }
        %and3A_317 = arith.constant true
        %and3A_318 = arith.andi %and3A_313, %and3A_317 : i1
        %add3A_319 = arith.constant 1 : i32
        %add3A_320 = arith.addi %scan3A_115, %add3A_319 : i32
        %select_n3A_321 = arith.select %and3A_318, %add3A_320, %scan3A_115 : i32
        %add3A_322 = arith.constant 12 : i32
        %add3A_323 = arith.addi %add3A_322, %add3A_122 : i32
        %add3A_324 = arith.constant 12 : i32
        %add3A_325 = arith.addi %add3A_324, %add3A_142 : i32
        %ne3A_326 = arith.cmpi ne, %add3A_323, %add3A_325 : i32
        %or3A_327 = arith.constant false
        %or3A_328 = arith.ori %or3A_327, %ne3A_326 : i1
        %or3A_329 = arith.constant false
        %or3A_330 = arith.ori %or3A_328, %or3A_329 : i1
        %or3A_331 = arith.constant false
        %or3A_332 = arith.ori %or3A_330, %or3A_331 : i1
        %or3A_333 = arith.ori %or3A_332, %eq3A_120 : i1
        %add3A_334 = arith.constant 1 : i32
        %add3A_335 = arith.addi %scan3A_113, %add3A_334 : i32
        %select_n3A_336 = arith.select %or3A_333, %add3A_335, %scan3A_113 : i32
        %add3A_337 = arith.constant 1 : i32
        %add3A_338 = arith.addi %scan3A_116, %add3A_337 : i32
        %select_n3A_339 = arith.constant true
        %select_n3A_340 = arith.select %select_n3A_339, %add3A_338, %scan3A_116 : i32
        %eq3A_341 = arith.constant 20 : i32
        %eq3A_342 = arith.cmpi eq, %select_n3A_340, %eq3A_341 : i32
        %select_n3A_343 = arith.constant 0 : i32
        %select_n3A_344 = arith.select %eq3A_342, %select_n3A_343, %select_n3A_340 : i32
        scf.yield %select_n3A_169, %select_n3A_336, %select_n3A_282, %select_n3A_321, %select_n3A_344 : i32, i32, i32, i32, i32
      }
      %scan3A_59 = arith.constant 20 : i32
      %sub3A = arith.constant 1 : i32
      %sub3A_60 = arith.subi %scan3A_58#4, %sub3A : i32
      %select_n3A_61 = arith.constant true
      %select_n3A_62 = arith.select %select_n3A_61, %sub3A_60, %scan3A_58#4 : i32
      %eq3A_63 = arith.constant -1 : i32
      %eq3A_64 = arith.cmpi eq, %select_n3A_62, %eq3A_63 : i32
      %select_n3A_65 = arith.constant 19 : i32
      %select_n3A_66 = arith.select %eq3A_64, %select_n3A_65, %select_n3A_62 : i32
      %add3A_67 = arith.constant 0 : i32
      %add3A_68 = arith.addi %select_n3A_66, %add3A_67 : i32
      %sub3A_69 = arith.constant 1 : i32
      %sub3A_70 = arith.subi %select_n3A_66, %sub3A_69 : i32
      %select_n3A_71 = arith.constant true
      %select_n3A_72 = arith.select %select_n3A_71, %sub3A_70, %select_n3A_66 : i32
      %eq3A_73 = arith.constant -1 : i32
      %eq3A_74 = arith.cmpi eq, %select_n3A_72, %eq3A_73 : i32
      %select_n3A_75 = arith.constant 19 : i32
      %select_n3A_76 = arith.select %eq3A_74, %select_n3A_75, %select_n3A_72 : i32
      %add3A_77 = arith.constant 0 : i32
      %add3A_78 = arith.addi %select_n3A_76, %add3A_77 : i32
      %add3A_79 = arith.constant 1 : i32
      %add3A_80 = arith.addi %select_n3A_66, %add3A_79 : i32
      %select_n3A_81 = arith.constant true
      %select_n3A_82 = arith.select %select_n3A_81, %add3A_80, %select_n3A_66 : i32
      %eq3A_83 = arith.constant 20 : i32
      %eq3A_84 = arith.cmpi eq, %select_n3A_82, %eq3A_83 : i32
      %select_n3A_85 = arith.constant 0 : i32
      %select_n3A_86 = arith.select %eq3A_84, %select_n3A_85, %select_n3A_82 : i32
      %add3A_87 = arith.constant 0 : i32
      %add3A_88 = arith.addi %select_n3A_86, %add3A_87 : i32
      %add3A_89 = arith.constant 1 : i32
      %add3A_90 = arith.addi %select_n3A_86, %add3A_89 : i32
      %select_n3A_91 = arith.constant true
      %select_n3A_92 = arith.select %select_n3A_91, %add3A_90, %select_n3A_86 : i32
      %eq3A_93 = arith.constant 20 : i32
      %eq3A_94 = arith.cmpi eq, %select_n3A_92, %eq3A_93 : i32
      %select_n3A_95 = arith.constant 0 : i32
      %select_n3A_96 = arith.select %eq3A_94, %select_n3A_95, %select_n3A_92 : i32
      %add3A_97 = arith.constant 0 : i32
      %add3A_98 = arith.addi %select_n3A_96, %add3A_97 : i32
      "tpu.trace_start"() <{level = 10 : i32, message = "ep_finalize"}> : () -> ()
      %rem3A_99 = arith.constant 2 : i32
      %rem3A_100 = arith.remui %scan3A_58#3, %rem3A_99 : i32
      %add3A_101 = arith.constant 12 : i32
      %add3A_102 = arith.addi %add3A_101, %add3A_68 : i32
      %mul3A = arith.constant 512 : i32
      %mul3A_103 = arith.muli %mul3A, %add3A_102 : i32
      %dma_wait3A = tpu.memref_slice %run_scoped3A_5[%rem3A_100] : memref<2x!tpu.dma_semaphore, #tpu.memory_space<semaphore_mem>> -> memref<1x!tpu.dma_semaphore, #tpu.memory_space<semaphore_mem>>
      %dma_wait3A_104 = tpu.memref_squeeze %dma_wait3A : memref<1x!tpu.dma_semaphore, #tpu.memory_space<semaphore_mem>> -> memref<!tpu.dma_semaphore, #tpu.memory_space<semaphore_mem>>
      %dma_wait3A_105 = arith.constant 0 : i32
      %dma_wait3A_106 = tpu.memref_slice %arg1[%mul3A_103, %dma_wait3A_105] : memref<16384x2048xf32, #tpu.memory_space<any>> -> memref<512x2048xf32, #tpu.memory_space<any>>
      %dma_wait3A_107 = arith.constant 0 : i32
      %dma_wait3A_108 = arith.constant 0 : i32
      %dma_wait3A_109 = tpu.memref_slice %run_scoped3A_4[%rem3A_100, %dma_wait3A_107, %dma_wait3A_108] : memref<2x512x2048xf32, #tpu.memory_space<vmem>> -> memref<1x512x2048xf32, #tpu.memory_space<vmem>>
      %dma_wait3A_110 = tpu.memref_squeeze %dma_wait3A_109 : memref<1x512x2048xf32, #tpu.memory_space<vmem>> -> memref<512x2048xf32, #tpu.memory_space<vmem>>
      tpu.wait_dma2 semaphore(%dma_wait3A_104 : memref<!tpu.dma_semaphore, #tpu.memory_space<semaphore_mem>>) src(%dma_wait3A_110 : memref<512x2048xf32, #tpu.memory_space<vmem>>) dst(%dma_wait3A_106 : memref<512x2048xf32, #tpu.memory_space<any>>)
      "tpu.trace_stop"() : () -> ()
      tpu.yield
    }) : () -> ()
    return
  }
}

</mosaic_0001>

<sc_bundles>
// kernel: kernel.6.cloned.1.call-start
scs
__scs_entry_jumppad:
0x0: {  	(pc) =	sbr.rel $0x88, $3  }
0x1: {  	(tag) =	ssettag $0x0;
	lr =	simm.s32 $0x1  }
0x2: {  	[smem:$0x3FA0] =	sst lr;
	_ =	strace $0xD0000000  }
0x3: {  	_ = 	snop  }
0x4: {  	_ = 	snop  }
0x5: {  	_ = 	snop  }
0x6: {  	_ = 	snop  }
0x7: {  	_ = 	snop  }
__scs_overlays_trampoline_lowered:
0x8: {  	[smem:$0x3FAF] =	sst s0  }
0x9: {  	[smem:$0x3FB0] =	sst s1  }
0xa: {  	[smem:$0x3FB1] =	sst s2  }
0xb: {  	[smem:$0x3FB2] =	sst s3  }
0xc: {  	[smem:$0x3FB3] =	sst s4  }
0xd: {  	[smem:$0x3FB4] =	sst s5  }
0xe: {  	[smem:$0x3FB5] =	sst s6  }
0xf: {  	[smem:$0x3FB6] =	sst s7  }
0x10: {  	[smem:$0x3FB7] =	sst s8  }
0x11: {  	[smem:$0x3FB8] =	sst s9;
	s0 =	simm.s32 @!p0 $0x0  }
0x12: {  	s1 =	sld [smem:$0x3F9E];
	s0 =	simm.s32 @p0 $0x1  }
0x13: {  	[smem:$0x3FB9] =	sst s0;
	s0 =	simm.s32 @!p1 $0x0  }
0x14: {  	s2 =	sld [smem:$0x3F9D];
	s0 =	simm.s32 @p1 $0x1  }
0x15: {  	[smem:$0x3FBA] =	sst s0;
	s0 =	simm.s32 @!p2 $0x0  }
0x16: {  	s3 =	sld [smem:$0x3FDB];
	s0 =	simm.s32 @p2 $0x1  }
0x17: {  	s4 =	simm.s32 $0x1BF5;
	[smem:$0x3FBC] =	sst s0  }
0x18: {  	s0 =	sld [smem:$0x3F9F];
	_ =	swait.ge [sflag:s4], $0x0  }
0x19: {  	s7 =	sld [smem:$0x3FA0]  }
0x1a: {  	s8 =	sadd.s32 $0xFFFFE003, lr  }
0x1b: {  	s9 =	sadd.s32 $0xFFFFFEF7, lr;
	s5 =	simm.s32 $0xFFFFFFFF;
	p2 =	slt.u32 s8, $0xFFFFF086  }
0x1c: {  	p1 =	slt.u32 s9, $0xF7A;
	s5 =	simm.s32 @!p2 $0x0  }
0x1d: {  	s5 =	simm.s32 @p1 $0x1;
	p0 =	seq.s32 s7, s2  }
0x1e: {  	s7 =	smul.u32 @!p0 $0xF7A, s2;
	p2 =	seq.s32 @!p0 s5, $0x0  }
0x1f: {  	s9 =	smul.u32 $0xF7A, s1;
	s8 =	simm.s32 @!p0 $0x1BF5;
	p2 =	por !p2, p0  }
0x20: {  	[sflag:s8] =	ssyncset.s32 @!p0 $0xFFFFF086;
	s6 =	sadd.s32 @!p0 s3, s7;
	s7 =	simm.s32 @!p0 $0x108  }
0x21: {  	s3 =	sadd.s32 s3, s9;
	s6 =	sadd.s32 @!p0 $0x88, s6;
	s7 =	simm.s32 @p2 $0x1082  }
0x22: {  	[simem:s7], [sflag:s8] =	dma.local @!p0 [hbm:s6], $0xF7A  }
0x23: {  	s9 =	sor.u32 $0xD0000000, s2;
	s6 =	simm.s32 $0x108;
	_ =	swait.ge @!p0 [sflag:s8], $0x0  }
0x24: {  	s3 =	sadd.s32 $0x88, s3;
	s6 =	simm.s32 @!p1 $0x1082;
	[sflag:s4] =	ssyncset.s32 $0xFFFFF086  }
0x25: {  	[simem:s6], [sflag:s4] =	dma.local [hbm:s3], $0xF7A  }
0x26: {  	[smem:$0x3FA0] =	sst s1;
	(tag) =	ssettag s2;
	_ =	strace s9  }
0x27: {  	s1 =	sld [smem:$0x3FB0]  }
0x28: {  	s2 =	sld [smem:$0x3FB1]  }
0x29: {  	s4 =	sld [smem:$0x3FB3]  }
0x2a: {  	p0 =	seq.s32 s5, $0x0;
	s5 =	sld [smem:$0x3FB4]  }
0x2b: {  	s6 =	sld [smem:$0x3FB5]  }
0x2c: {  	s7 =	sld [smem:$0x3FB6]  }
0x2d: {  	s3 =	simm.s32 $0x108;
	s8 =	sld [smem:$0x3FB7]  }
0x2e: {  	s3 =	simm.s32 @!p0 $0x1082;
	s9 =	sld [smem:$0x3FB8]  }
0x2f: {  	lr =	sadd.s32 s0, s3;
	s0 =	sld [smem:$0x3FAF]  }
0x30: {  	s3 =	sld [smem:$0x3FB2]  }
0x31: {  	[smem:$0x3FBB] =	sst s10  }
0x32: {  	s10 =	sld [smem:$0x3FB9];
	_ =	sdelay $0x3  }
0x33: {  	p0 =	seq.s32 s10, $0x1;
	s10 =	sld [smem:$0x3FBB];
	_ =	sdelay $0x3  }
0x34: {  	[smem:$0x3FBB] =	sst s10  }
0x35: {  	s10 =	sld [smem:$0x3FBA];
	_ =	sdelay $0x3  }
0x36: {  	p1 =	seq.s32 s10, $0x1;
	s10 =	sld [smem:$0x3FBB];
	_ =	sdelay $0x3  }
0x37: {  	[smem:$0x3FBB] =	sst s10  }
0x38: {  	s10 =	sld [smem:$0x3FBC]  }
0x39: {  	_ = 	snop;
	(pc) =	sbr.ind lr, $3  }
0x3a: {  	_ = 	snop  }
0x3b: {  	_ = 	snop  }
0x3c: {  	p2 =	seq.s32 s10, $0x1;
	s10 =	sld [smem:$0x3FBB]  }
0x3d: {  	_ =	shalt  }
0x3e: {  	_ =	shalt  }
0x3f: {  	_ =	shalt  }
0x40: {  	_ =	shalt  }
0x41: {  	_ =	shalt  }
0x42: {  	_ =	shalt  }
0x43: {  	_ =	shalt  }
0x44: {  	_ =	shalt  }
0x45: {  	_ =	shalt  }
0x46: {  	_ =	shalt  }
0x47: {  	_ =	shalt  }
0x48: {  	_ =	shalt  }
0x49: {  	_ =	shalt  }
0x4a: {  	_ =	shalt  }
0x4b: {  	_ =	shalt  }
0x4c: {  	_ =	shalt  }
0x4d: {  	_ =	shalt  }
0x4e: {  	_ =	shalt  }
0x4f: {  	_ =	shalt  }
0x50: {  	_ =	shalt  }
0x51: {  	_ =	shalt  }
0x52: {  	_ =	shalt  }
0x53: {  	_ =	shalt  }
0x54: {  	_ =	shalt  }
0x55: {  	_ =	shalt  }
0x56: {  	_ =	shalt  }
0x57: {  	_ =	shalt  }
0x58: {  	_ =	shalt  }
0x59: {  	_ =	shalt  }
0x5a: {  	_ =	shalt  }
0x5b: {  	_ =	shalt  }
0x5c: {  	_ =	shalt  }
0x5d: {  	_ =	shalt  }
0x5e: {  	_ =	shalt  }
0x5f: {  	_ =	shalt  }
0x60: {  	_ =	shalt  }
0x61: {  	_ =	shalt  }
0x62: {  	_ =	shalt  }
0x63: {  	_ =	shalt  }
0x64: {  	_ =	shalt  }
0x65: {  	_ =	shalt  }
0x66: {  	_ =	shalt  }
0x67: {  	_ =	shalt  }
0x68: {  	_ =	shalt  }
0x69: {  	_ =	shalt  }
0x6a: {  	_ =	shalt  }
0x6b: {  	_ =	shalt  }
0x6c: {  	_ =	shalt  }
0x6d: {  	_ =	shalt  }
0x6e: {  	_ =	shalt  }
0x6f: {  	_ =	shalt  }
0x70: {  	_ =	shalt  }
0x71: {  	_ =	shalt  }
0x72: {  	_ =	shalt  }
0x73: {  	_ =	shalt  }
0x74: {  	_ =	shalt  }
0x75: {  	_ =	shalt  }
0x76: {  	_ =	shalt  }
0x77: {  	_ =	shalt  }
0x78: {  	_ =	shalt  }
0x79: {  	_ =	shalt  }
0x7a: {  	_ =	shalt  }
0x7b: {  	_ =	shalt  }
0x7c: {  	_ =	shalt  }
0x7d: {  	_ =	shalt  }
0x7e: {  	_ =	shalt  }
0x7f: {  	_ =	shalt  }
0x80: {  	_ =	shalt  }
0x81: {  	_ =	shalt  }
0x82: {  	_ =	shalt  }
0x83: {  	_ =	shalt  }
0x84: {  	_ =	shalt  }
0x85: {  	_ =	shalt  }
0x86: {  	_ =	shalt  }
0x87: {  	_ =	shalt  }
.Lfunc_end0:
.L_simem_size_0:
called_computation_lowered:
.L_overlay_start_0:
0x88: {  	s2 =	sld [smem:$0x3FD9]  }
0x89: {  	s3 =	sld [smem:$0x3FFE];
	_ =	sdelay $0x1  }
0x8a: {  	s1 =	srdreg.scid  }
0x8b: {  	s0 =	sand.u32 $0x1, s1  }
0x8c: {  	s17 =	sshll.u32 s0, $0xA;
	s2 =	sadd.s32 s3, s2  }
0x8d: {  	s2 =	sadd.s32 s2, s17  }
0x8e: {  	[smem:$0x3FC7] =	sst s2  }
0x8f: {  	_ = 	snop  }
0x90: {  	s2 =	sld [smem:$0x3FC9]  }
0x91: {  	s18 =	sld [smem:$0x3FD0];
	(tm) =	ssettm $0x1  }
0x92: {  	s4 =	sld [smem:$0x3FFB];
	_ =	sdelay $0x3  }
0x93: {  	_ =	strace s4  }
0x94: {  	s4 =	sld [smem:$0x3FFC];
	_ =	sdelay $0x3  }
0x95: {  	_ =	strace s4  }
0x96: {  	s4 =	sld [smem:$0x3FFD];
	_ =	sdelay $0x3  }
0x97: {  	_ =	strace s4  }
0x98: {  	_ =	strace $0x8FFFFFFF  }
0x99: {  	s19 =	sld [smem:$0x3FDB];
	_ =	sdelay $0x1  }
0x9a: {  	s5 =	simm.s32 $_scs_section_size  }
0x9b: {  	s6 =	simm.s32 $_size__tile_overlayer_lowered;
	s7 =	simm.s32 $_tile_overlayer_lowered  }
0x9c: {  	s22 =	simm.s32 $0x1BFF;
	s21 =	sshll.u32 s7, $0x1;
	s4 =	sadd.s32 s5, s19  }
0x9d: {  	s8 =	simm.s32 $0x0;
	s20 =	sshll.u32 s6, $0x1;
	s6 =	sadd.s32 s21, s4  }
0x9e: {  	[timem:s8], [sflag:s22] =	dma.local [hbm:s6], s20  }
0x9f: {  	_ =	swait.ge [sflag:s22], s20  }
0xa0: {  	s5 =	ssub.s32 $0x0, s20;
	[sflag:s22] =	ssyncset.done $0x0  }
0xa1: {  	[sflag:s22] =	ssyncadd.s32 s5;
	_ =	sdelay $0x1  }
0xa2: {  	s23 =	simm.s32 $0x1B8B  }
0xa3: {  	_ =	swait.ge [sflag:s23], $0x1  }
0xa4: {  	[sflag:s23] =	ssyncset.done $0x0  }
0xa5: {  	s25 =	simm.s32 $0x1B8E;
	s24 =	sld [smem:$0x3FFE];
	[sflag:s23] =	ssyncadd.s32 $0xFFFFFFFF  }
0xa6: {  	s26 =	simm.s32 $execute0_lowered;
	[smem:$0x3FD2] =	sst s25  }
0xa7: {  	s6 =	sshll.u32 s26, $0x1;
	_ =	strace $0x80000046;
	[dreg:$0x1] =	wrdreg $0xFFFFFFFF  }
0xa8: {  	s28 =	simm.s32 $_size_execute0_lowered;
	s4 =	sadd.s32 s4, s6;
	[dreg:$0x0] =	wrdreg $0x0  }
0xa9: {  	s6 =	sshll.u32 s28, $0x1;
	[dreg:$0x2] =	wrdreg s4  }
0xaa: {  	[dreg:$0x3] =	wrdreg s6  }
0xab: {  	[dreg:$0x4] =	wrdreg $0xC0  }
0xac: {  	_ =	task [dreg:s8], $0x5FFFF  }
0xad: {  	[dreg:$0x1] =	wrdreg $0xFFFFFFFF  }
0xae: {  	[dreg:$0x0] =	wrdreg $0x60  }
0xaf: {  	[dreg:$0x2] =	wrdreg s2  }
0xb0: {  	[dreg:$0x3] =	wrdreg s24  }
0xb1: {  	[dreg:$0x4] =	wrdreg s18  }
0xb2: {  	[dreg:$0x5] =	wrdreg $0x9  }
0xb3: {  	_ =	task.clear_ibuf [dreg:s8], $0x6FFFF;
	_ =	strace $0x90000046  }
0xb4: {  	s29 =	simm.s32 $0x9;
	_ =	strace $0x80000048  }
0xb5: {  	_ =	swait.ge [sflag:s29], $0x1  }
0xb6: {  	[sflag:s29] =	ssyncadd.s32 $0xFFFFFFFF  }
0xb7: {  	_ =	strace $0x90000048  }
0xb8: {  	_ =	sfence  }
0xb9: {  	s30 =	sld [smem:$0x0];
	_ =	sdelay $0x2  }
0xba: {  	s31 =	sshll.u32 s1, $0xD;
	s1 =	sshrl.u32 s1, $0x2  }
0xbb: {  	s3 =	sand.u32 $0x4000, s31;
	s1 =	sadd.s32 s1, s30  }
0xbc: {  	s0 =	sor.u32 s3, s0;
	s1 =	sshll.u32 s1, $0x11  }
0xbd: {  	s0 =	sor.u32 s1, s0  }
0xbe: {  	s0 =	sadd.s32 $0x8F2B, s0  }
0xbf: {  	[sflag:s0] =	ssyncadd.remote.s32 $0x1  }
0xc0: {  	_ =	sfence.sel $0xFFFF  }
0xc1: {  	[dreg:$0x0] =	wrdreg $0xFFFFFFFF;
	(pc) =	sbr.abs _section_cstart, $3  }
0xc2: {  	[dreg:$0x1] =	wrdreg $0xFFFFFFFF  }
0xc3: {  	_ =	task.clear_ibuf [dreg:s8], $0x2FFFF;
	_ =	strace $0x9FFFFFFF  }
0xc4: {  	(tm) =	ssettm $0x7FFFFFFF  }
0xc5: {  	_ =	shalt  }
tec
execute0_lowered:
.L_overlay_start_1:
0x0: {  	(tag) =	ssettag $0x1  }
0x1: {  	s5 =	rddreg [dreg:$0x0]  }
0x2: {  	s4 =	rddreg [dreg:$0x1]  }
0x3: {  	s3 =	rddreg [dreg:$0x2];
	s2 =	srdreg.scid  }
0x4: {  	s0 =	rddreg [dreg:$0x3];
	s1 =	stileid.u32;
	s6 =	sand.u32 $0x1, s2  }
0x5: {  	s2 =	simm.s32 $0x0;
	s8 =	sshll.u32 s1, $0x1;
	s28 =	smul.u32 $0x18000, s1  }
0x6: {  	s7 =	ssub.s32 $0x2, s6;
	s10 =	sor.u32 s6, s8;
	s11 =	smul.u32 $0xC000, s6  }
0x7: {  	[smem:$0x7FF] =	sst s2;
	s9 =	sshrl.u32 s7, $0x1;
	s29 =	smul.u32 $0xC0, s10  }
0x8: {  	_ =	strace $0x80000047;
	s8 =	sadd.s32 s28, s3;
	s3 =	sadd.s32 $0xC00, s4  }
0x9: {  	s4 =	sadd.s32 $0x1400, s4;
	p0 =	sne.s32 s10, $0x0;
	s10 =	simm.s32 $0x0  }
0xa: {  	s7 =	ssub.s32 s7, s9;
	s31 =	sadd.s32 s11, s8;
	s8 =	simm.s32 $0x100  }
0xb: {  	s9 =	simm.s32 $0x2;
	s30 =	sshrl.u32 s29, $0x3;
	s6 =	smax.u32 s7, $0x1  }
0xc: {  	[dreg:$0x4] =	wrdreg s31;
	s7 =	simm.s32 $0x1;
	s5 =	sadd.s32 s5, s30  }
.LBB2_1:
0xd: {  	[tilespmem:s2], [sflag:$0x1] =	stream.linear.gather [hbm4b:s5+s2], $0xC0, $0x38;
	[tilespmem:$0x4100] =	vst v63  }
0xe: {  	_ =	swait.ge [sflag:s7], $0xC0  }
0xf: {  	[sflag:s7] =	ssyncset.done $0x0  }
0x10: {  	[sflag:s7] =	ssyncadd.s32 $0xFFFFFF40  }
0x11: {  	[tilespmem:s8], [sflag:$0x1] =	stream.linear.gather [hbm4b:s3+s2], $0x4000, $0x38;
	[tilespmem:$0x4100] =	vst v63  }
0x12: {  	_ =	swait.ge [sflag:s7], $0x4000  }
0x13: {  	[sflag:s7] =	ssyncset.done $0x0  }
0x14: {  	s11 =	simm.s32 $0x0;
	s12 =	simm.s32 $0x0;
	[sflag:s7] =	ssyncadd.s32 $0xFFFFC000  }
.LBB2_2:
0x15: {  	v0 =	vld [tilespmem:s11+$0x0];
	_ =	sdelay $0x4  }
0x16: {  	(v2sf) =	vpush v0, $0x0;
	_ =	sdelay $0xe  }
0x17: {  	s13 =	spop (v2sf)  }
0x18: {  	s15 =	sshll.u32 s13, $0xB;
	s13 =	sshll.u32 s13, $0x7  }
0x19: {  	s15 =	sand.u32 $0xFFFFC000, s15;
	s13 =	sand.u32 $0x380, s13  }
0x1a: {  	s14 =	rddreg [dreg:$0x4];
	s15 =	sor.u32 s13, s15  }
0x1b: {  	s13 =	sadd.s32 s12, s14;
	s17 =	sadd.s32 $0x100, s15  }
0x1c: {  	[hbm4b:s13+s2] =	stream.linear.scatter [tilespmem:s17], [sflag:$0x2], $0x80, $0x38;
	[tilespmem:$0x4100] =	vst v63  }
0x1d: {  	s18 =	sadd.s32 $0x500, s15;
	s16 =	sadd.s32 $0x80, s13  }
0x1e: {  	[hbm4b:s16+s2] =	stream.linear.scatter [tilespmem:s18], [sflag:$0x2], $0x80, $0x38;
	[tilespmem:$0x4100] =	vst v63  }
0x1f: {  	s19 =	sadd.s32 $0x900, s15;
	s20 =	sadd.s32 $0x100, s13  }
0x20: {  	[hbm4b:s20+s2] =	stream.linear.scatter [tilespmem:s19], [sflag:$0x2], $0x80, $0x38;
	[tilespmem:$0x4100] =	vst v63  }
0x21: {  	s21 =	sadd.s32 $0xD00, s15;
	s22 =	sadd.s32 $0x180, s13  }
0x22: {  	[hbm4b:s22+s2] =	stream.linear.scatter [tilespmem:s21], [sflag:$0x2], $0x80, $0x38;
	[tilespmem:$0x4100] =	vst v63  }
0x23: {  	s23 =	sadd.s32 $0x1100, s15;
	s24 =	sadd.s32 $0x200, s13  }
0x24: {  	(v2sf) =	vpush v0, $0x1;
	[hbm4b:s24+s2] =	stream.linear.scatter [tilespmem:s23], [sflag:$0x2], $0x80, $0x38;
	[tilespmem:$0x4100] =	vst v63  }
0x25: {  	s25 =	sadd.s32 $0x1500, s15;
	s26 =	sadd.s32 $0x280, s13  }
0x26: {  	[hbm4b:s26+s2] =	stream.linear.scatter [tilespmem:s25], [sflag:$0x2], $0x80, $0x38;
	[tilespmem:$0x4100] =	vst v63  }
0x27: {  	s28 =	sadd.s32 $0x1900, s15;
	s29 =	sadd.s32 $0x300, s13  }
0x28: {  	[hbm4b:s29+s2] =	stream.linear.scatter [tilespmem:s28], [sflag:$0x2], $0x80, $0x38;
	[tilespmem:$0x4100] =	vst v63  }
0x29: {  	s30 =	sadd.s32 $0x1D00, s15;
	s31 =	sadd.s32 $0x380, s13  }
0x2a: {  	[hbm4b:s31+s2] =	stream.linear.scatter [tilespmem:s30], [sflag:$0x2], $0x80, $0x38;
	[tilespmem:$0x4100] =	vst v63  }
0x2b: {  	s17 =	sadd.s32 $0x2100, s15;
	s18 =	sadd.s32 $0x400, s13  }
0x2c: {  	[hbm4b:s18+s2] =	stream.linear.scatter [tilespmem:s17], [sflag:$0x2], $0x80, $0x38;
	[tilespmem:$0x4100] =	vst v63  }
0x2d: {  	s19 =	sadd.s32 $0x2500, s15;
	s20 =	sadd.s32 $0x480, s13;
	s21 =	sadd.s32 $0x2900, s15  }
0x2e: {  	[hbm4b:s20+s2] =	stream.linear.scatter [tilespmem:s19], [sflag:$0x2], $0x80, $0x38;
	[tilespmem:$0x4100] =	vst v63  }
0x2f: {  	s22 =	sadd.s32 $0x500, s13;
	s23 =	sadd.s32 $0x2D00, s15;
	s24 =	sadd.s32 $0x580, s13  }
0x30: {  	[hbm4b:s22+s2] =	stream.linear.scatter [tilespmem:s21], [sflag:$0x2], $0x80, $0x38;
	[tilespmem:$0x4100] =	vst v63  }
0x31: {  	s25 =	sadd.s32 $0x3100, s15;
	s26 =	sadd.s32 $0x600, s13;
	s28 =	sadd.s32 $0x3500, s15  }
0x32: {  	[hbm4b:s24+s2] =	stream.linear.scatter [tilespmem:s23], [sflag:$0x2], $0x80, $0x38;
	[tilespmem:$0x4100] =	vst v63  }
0x33: {  	s29 =	sadd.s32 $0x680, s13;
	s30 =	sadd.s32 $0x3900, s15;
	s19 =	spop (v2sf)  }
0x34: {  	[hbm4b:s26+s2] =	stream.linear.scatter [tilespmem:s25], [sflag:$0x2], $0x80, $0x38;
	[tilespmem:$0x4100] =	vst v63  }
0x35: {  	s31 =	sadd.s32 $0x700, s13;
	s20 =	sshll.u32 s19, $0xB;
	s14 =	sshll.u32 s19, $0x7  }
0x36: {  	[hbm4b:s29+s2] =	stream.linear.scatter [tilespmem:s28], [sflag:$0x2], $0x80, $0x38;
	[tilespmem:$0x4100] =	vst v63  }
0x37: {  	s17 =	sadd.s32 $0x3D00, s15;
	s15 =	sand.u32 $0xFFFFC000, s20;
	s14 =	sand.u32 $0x380, s14  }
0x38: {  	[hbm4b:s31+s2] =	stream.linear.scatter [tilespmem:s30], [sflag:$0x2], $0x80, $0x38;
	[tilespmem:$0x4100] =	vst v63  }
0x39: {  	s18 =	sadd.s32 $0x780, s13;
	s14 =	sor.u32 s14, s15  }
0x3a: {  	[hbm4b:s18+s2] =	stream.linear.scatter [tilespmem:s17], [sflag:$0x2], $0x80, $0x38;
	[tilespmem:$0x4100] =	vst v63  }
0x3b: {  	s21 =	sadd.s32 $0x10, s13;
	s22 =	sadd.s32 $0x100, s14  }
0x3c: {  	[hbm4b:s21+s2] =	stream.linear.scatter [tilespmem:s22], [sflag:$0x2], $0x80, $0x38;
	[tilespmem:$0x4100] =	vst v63  }
0x3d: {  	s23 =	sadd.s32 $0x500, s14;
	s24 =	sadd.s32 $0x90, s13  }
0x3e: {  	[hbm4b:s24+s2] =	stream.linear.scatter [tilespmem:s23], [sflag:$0x2], $0x80, $0x38;
	[tilespmem:$0x4100] =	vst v63  }
0x3f: {  	s25 =	sadd.s32 $0x900, s14;
	s26 =	sadd.s32 $0x110, s13  }
0x40: {  	[hbm4b:s26+s2] =	stream.linear.scatter [tilespmem:s25], [sflag:$0x2], $0x80, $0x38;
	[tilespmem:$0x4100] =	vst v63  }
0x41: {  	s28 =	sadd.s32 $0xD00, s14;
	s29 =	sadd.s32 $0x190, s13  }
0x42: {  	[hbm4b:s29+s2] =	stream.linear.scatter [tilespmem:s28], [sflag:$0x2], $0x80, $0x38;
	[tilespmem:$0x4100] =	vst v63  }
0x43: {  	s30 =	sadd.s32 $0x1100, s14;
	s31 =	sadd.s32 $0x210, s13  }
0x44: {  	[hbm4b:s31+s2] =	stream.linear.scatter [tilespmem:s30], [sflag:$0x2], $0x80, $0x38;
	[tilespmem:$0x4100] =	vst v63  }
0x45: {  	s17 =	sadd.s32 $0x1500, s14;
	s18 =	sadd.s32 $0x290, s13  }
0x46: {  	[hbm4b:s18+s2] =	stream.linear.scatter [tilespmem:s17], [sflag:$0x2], $0x80, $0x38;
	[tilespmem:$0x4100] =	vst v63  }
0x47: {  	s20 =	sadd.s32 $0x310, s13;
	s19 =	sadd.s32 $0x1900, s14  }
0x48: {  	[hbm4b:s20+s2] =	stream.linear.scatter [tilespmem:s19], [sflag:$0x2], $0x80, $0x38;
	[tilespmem:$0x4100] =	vst v63  }
0x49: {  	s21 =	sadd.s32 $0x1D00, s14;
	s22 =	sadd.s32 $0x390, s13  }
0x4a: {  	(v2sf) =	vpush v0, $0x2;
	[hbm4b:s22+s2] =	stream.linear.scatter [tilespmem:s21], [sflag:$0x2], $0x80, $0x38;
	[tilespmem:$0x4100] =	vst v63  }
0x4b: {  	s23 =	sadd.s32 $0x2100, s14;
	s24 =	sadd.s32 $0x410, s13  }
0x4c: {  	[hbm4b:s24+s2] =	stream.linear.scatter [tilespmem:s23], [sflag:$0x2], $0x80, $0x38;
	[tilespmem:$0x4100] =	vst v63  }
0x4d: {  	s25 =	sadd.s32 $0x2500, s14;
	s26 =	sadd.s32 $0x490, s13  }
0x4e: {  	[hbm4b:s26+s2] =	stream.linear.scatter [tilespmem:s25], [sflag:$0x2], $0x80, $0x38;
	[tilespmem:$0x4100] =	vst v63  }
0x4f: {  	s28 =	sadd.s32 $0x2900, s14;
	s29 =	sadd.s32 $0x510, s13  }
0x50: {  	[hbm4b:s29+s2] =	stream.linear.scatter [tilespmem:s28], [sflag:$0x2], $0x80, $0x38;
	[tilespmem:$0x4100] =	vst v63  }
0x51: {  	s30 =	sadd.s32 $0x2D00, s14;
	s31 =	sadd.s32 $0x590, s13  }
0x52: {  	[hbm4b:s31+s2] =	stream.linear.scatter [tilespmem:s30], [sflag:$0x2], $0x80, $0x38;
	[tilespmem:$0x4100] =	vst v63  }
0x53: {  	s16 =	sadd.s32 $0x3100, s14;
	s17 =	sadd.s32 $0x610, s13  }
0x54: {  	[hbm4b:s17+s2] =	stream.linear.scatter [tilespmem:s16], [sflag:$0x2], $0x80, $0x38;
	[tilespmem:$0x4100] =	vst v63  }
0x55: {  	s18 =	sadd.s32 $0x3500, s14;
	s19 =	sadd.s32 $0x690, s13  }
0x56: {  	[hbm4b:s19+s2] =	stream.linear.scatter [tilespmem:s18], [sflag:$0x2], $0x80, $0x38;
	[tilespmem:$0x4100] =	vst v63  }
0x57: {  	s20 =	sadd.s32 $0x3900, s14;
	s21 =	sadd.s32 $0x710, s13  }
0x58: {  	[hbm4b:s21+s2] =	stream.linear.scatter [tilespmem:s20], [sflag:$0x2], $0x80, $0x38;
	[tilespmem:$0x4100] =	vst v63  }
0x59: {  	s14 =	sadd.s32 $0x3D00, s14;
	s22 =	sadd.s32 $0x790, s13;
	s23 =	spop (v2sf)  }
0x5a: {  	[hbm4b:s22+s2] =	stream.linear.scatter [tilespmem:s14], [sflag:$0x2], $0x80, $0x38;
	[tilespmem:$0x4100] =	vst v63  }
0x5b: {  	s24 =	sshll.u32 s23, $0xB;
	s14 =	sshll.u32 s23, $0x7  }
0x5c: {  	s15 =	sand.u32 $0xFFFFC000, s24;
	s14 =	sand.u32 $0x380, s14  }
0x5d: {  	s14 =	sor.u32 s14, s15  }
0x5e: {  	s25 =	sadd.s32 $0x20, s13;
	s26 =	sadd.s32 $0x100, s14  }
0x5f: {  	[hbm4b:s25+s2] =	stream.linear.scatter [tilespmem:s26], [sflag:$0x2], $0x80, $0x38;
	[tilespmem:$0x4100] =	vst v63  }
0x60: {  	s29 =	sadd.s32 $0xA0, s13;
	s28 =	sadd.s32 $0x500, s14  }
0x61: {  	[hbm4b:s29+s2] =	stream.linear.scatter [tilespmem:s28], [sflag:$0x2], $0x80, $0x38;
	[tilespmem:$0x4100] =	vst v63  }
0x62: {  	s31 =	sadd.s32 $0x120, s13;
	s30 =	sadd.s32 $0x900, s14  }
0x63: {  	[hbm4b:s31+s2] =	stream.linear.scatter [tilespmem:s30], [sflag:$0x2], $0x80, $0x38;
	[tilespmem:$0x4100] =	vst v63  }
0x64: {  	s18 =	sadd.s32 $0x1A0, s13;
	s17 =	sadd.s32 $0xD00, s14  }
0x65: {  	[hbm4b:s18+s2] =	stream.linear.scatter [tilespmem:s17], [sflag:$0x2], $0x80, $0x38;
	[tilespmem:$0x4100] =	vst v63  }
0x66: {  	s20 =	sadd.s32 $0x220, s13;
	s19 =	sadd.s32 $0x1100, s14  }
0x67: {  	[hbm4b:s20+s2] =	stream.linear.scatter [tilespmem:s19], [sflag:$0x2], $0x80, $0x38;
	[tilespmem:$0x4100] =	vst v63  }
0x68: {  	s22 =	sadd.s32 $0x2A0, s13;
	s21 =	sadd.s32 $0x1500, s14  }
0x69: {  	[hbm4b:s22+s2] =	stream.linear.scatter [tilespmem:s21], [sflag:$0x2], $0x80, $0x38;
	[tilespmem:$0x4100] =	vst v63  }
0x6a: {  	s24 =	sadd.s32 $0x320, s13;
	s23 =	sadd.s32 $0x1900, s14  }
0x6b: {  	[hbm4b:s24+s2] =	stream.linear.scatter [tilespmem:s23], [sflag:$0x2], $0x80, $0x38;
	[tilespmem:$0x4100] =	vst v63  }
0x6c: {  	s25 =	sadd.s32 $0x1D00, s14;
	s26 =	sadd.s32 $0x3A0, s13  }
0x6d: {  	(v2sf) =	vpush v0, $0x3;
	[hbm4b:s26+s2] =	stream.linear.scatter [tilespmem:s25], [sflag:$0x2], $0x80, $0x38;
	[tilespmem:$0x4100] =	vst v63  }
0x6e: {  	s28 =	sadd.s32 $0x2100, s14;
	s29 =	sadd.s32 $0x420, s13  }
0x6f: {  	[hbm4b:s29+s2] =	stream.linear.scatter [tilespmem:s28], [sflag:$0x2], $0x80, $0x38;
	[tilespmem:$0x4100] =	vst v63  }
0x70: {  	s30 =	sadd.s32 $0x2500, s14;
	s31 =	sadd.s32 $0x4A0, s13  }
0x71: {  	[hbm4b:s31+s2] =	stream.linear.scatter [tilespmem:s30], [sflag:$0x2], $0x80, $0x38;
	[tilespmem:$0x4100] =	vst v63  }
0x72: {  	s16 =	sadd.s32 $0x2900, s14;
	s17 =	sadd.s32 $0x520, s13  }
0x73: {  	[hbm4b:s17+s2] =	stream.linear.scatter [tilespmem:s16], [sflag:$0x2], $0x80, $0x38;
	[tilespmem:$0x4100] =	vst v63  }
0x74: {  	s18 =	sadd.s32 $0x2D00, s14;
	s19 =	sadd.s32 $0x5A0, s13  }
0x75: {  	[hbm4b:s19+s2] =	stream.linear.scatter [tilespmem:s18], [sflag:$0x2], $0x80, $0x38;
	[tilespmem:$0x4100] =	vst v63  }
0x76: {  	s20 =	sadd.s32 $0x3100, s14;
	s21 =	sadd.s32 $0x620, s13  }
0x77: {  	[hbm4b:s21+s2] =	stream.linear.scatter [tilespmem:s20], [sflag:$0x2], $0x80, $0x38;
	[tilespmem:$0x4100] =	vst v63  }
0x78: {  	s22 =	sadd.s32 $0x3500, s14;
	s23 =	sadd.s32 $0x6A0, s13  }
0x79: {  	[hbm4b:s23+s2] =	stream.linear.scatter [tilespmem:s22], [sflag:$0x2], $0x80, $0x38;
	[tilespmem:$0x4100] =	vst v63  }
0x7a: {  	s24 =	sadd.s32 $0x3900, s14;
	s25 =	sadd.s32 $0x720, s13  }
0x7b: {  	[hbm4b:s25+s2] =	stream.linear.scatter [tilespmem:s24], [sflag:$0x2], $0x80, $0x38;
	[tilespmem:$0x4100] =	vst v63  }
0x7c: {  	s14 =	sadd.s32 $0x3D00, s14;
	s26 =	sadd.s32 $0x7A0, s13;
	s28 =	spop (v2sf)  }
0x7d: {  	[hbm4b:s26+s2] =	stream.linear.scatter [tilespmem:s14], [sflag:$0x2], $0x80, $0x38;
	[tilespmem:$0x4100] =	vst v63  }
0x7e: {  	s29 =	sshll.u32 s28, $0xB;
	s14 =	sshll.u32 s28, $0x7  }
0x7f: {  	s15 =	sand.u32 $0xFFFFC000, s29;
	s14 =	sand.u32 $0x380, s14  }
0x80: {  	s14 =	sor.u32 s14, s15  }
0x81: {  	s30 =	sadd.s32 $0x30, s13;
	s31 =	sadd.s32 $0x100, s14  }
0x82: {  	[hbm4b:s30+s2] =	stream.linear.scatter [tilespmem:s31], [sflag:$0x2], $0x80, $0x38;
	[tilespmem:$0x4100] =	vst v63  }
0x83: {  	s18 =	sadd.s32 $0xB0, s13;
	s17 =	sadd.s32 $0x500, s14  }
0x84: {  	[hbm4b:s18+s2] =	stream.linear.scatter [tilespmem:s17], [sflag:$0x2], $0x80, $0x38;
	[tilespmem:$0x4100] =	vst v63  }
0x85: {  	s20 =	sadd.s32 $0x130, s13;
	s19 =	sadd.s32 $0x900, s14  }
0x86: {  	[hbm4b:s20+s2] =	stream.linear.scatter [tilespmem:s19], [sflag:$0x2], $0x80, $0x38;
	[tilespmem:$0x4100] =	vst v63  }
0x87: {  	s22 =	sadd.s32 $0x1B0, s13;
	s21 =	sadd.s32 $0xD00, s14  }
0x88: {  	[hbm4b:s22+s2] =	stream.linear.scatter [tilespmem:s21], [sflag:$0x2], $0x80, $0x38;
	[tilespmem:$0x4100] =	vst v63  }
0x89: {  	s24 =	sadd.s32 $0x230, s13;
	s23 =	sadd.s32 $0x1100, s14  }
0x8a: {  	[hbm4b:s24+s2] =	stream.linear.scatter [tilespmem:s23], [sflag:$0x2], $0x80, $0x38;
	[tilespmem:$0x4100] =	vst v63  }
0x8b: {  	s26 =	sadd.s32 $0x2B0, s13;
	s25 =	sadd.s32 $0x1500, s14  }
0x8c: {  	[hbm4b:s26+s2] =	stream.linear.scatter [tilespmem:s25], [sflag:$0x2], $0x80, $0x38;
	[tilespmem:$0x4100] =	vst v63  }
0x8d: {  	s29 =	sadd.s32 $0x330, s13;
	s28 =	sadd.s32 $0x1900, s14  }
0x8e: {  	[hbm4b:s29+s2] =	stream.linear.scatter [tilespmem:s28], [sflag:$0x2], $0x80, $0x38;
	[tilespmem:$0x4100] =	vst v63  }
0x8f: {  	s30 =	sadd.s32 $0x1D00, s14;
	s31 =	sadd.s32 $0x3B0, s13  }
0x90: {  	(v2sf) =	vpush v0, $0x4;
	[hbm4b:s31+s2] =	stream.linear.scatter [tilespmem:s30], [sflag:$0x2], $0x80, $0x38;
	[tilespmem:$0x4100] =	vst v63  }
0x91: {  	s16 =	sadd.s32 $0x2100, s14;
	s17 =	sadd.s32 $0x430, s13  }
0x92: {  	[hbm4b:s17+s2] =	stream.linear.scatter [tilespmem:s16], [sflag:$0x2], $0x80, $0x38;
	[tilespmem:$0x4100] =	vst v63  }
0x93: {  	s18 =	sadd.s32 $0x2500, s14;
	s19 =	sadd.s32 $0x4B0, s13  }
0x94: {  	[hbm4b:s19+s2] =	stream.linear.scatter [tilespmem:s18], [sflag:$0x2], $0x80, $0x38;
	[tilespmem:$0x4100] =	vst v63  }
0x95: {  	s20 =	sadd.s32 $0x2900, s14;
	s21 =	sadd.s32 $0x530, s13  }
0x96: {  	[hbm4b:s21+s2] =	stream.linear.scatter [tilespmem:s20], [sflag:$0x2], $0x80, $0x38;
	[tilespmem:$0x4100] =	vst v63  }
0x97: {  	s22 =	sadd.s32 $0x2D00, s14;
	s23 =	sadd.s32 $0x5B0, s13  }
0x98: {  	[hbm4b:s23+s2] =	stream.linear.scatter [tilespmem:s22], [sflag:$0x2], $0x80, $0x38;
	[tilespmem:$0x4100] =	vst v63  }
0x99: {  	s24 =	sadd.s32 $0x3100, s14;
	s25 =	sadd.s32 $0x630, s13  }
0x9a: {  	[hbm4b:s25+s2] =	stream.linear.scatter [tilespmem:s24], [sflag:$0x2], $0x80, $0x38;
	[tilespmem:$0x4100] =	vst v63  }
0x9b: {  	s26 =	sadd.s32 $0x3500, s14;
	s28 =	sadd.s32 $0x6B0, s13  }
0x9c: {  	[hbm4b:s28+s2] =	stream.linear.scatter [tilespmem:s26], [sflag:$0x2], $0x80, $0x38;
	[tilespmem:$0x4100] =	vst v63  }
0x9d: {  	s29 =	sadd.s32 $0x3900, s14;
	s30 =	sadd.s32 $0x730, s13  }
0x9e: {  	[hbm4b:s30+s2] =	stream.linear.scatter [tilespmem:s29], [sflag:$0x2], $0x80, $0x38;
	[tilespmem:$0x4100] =	vst v63  }
0x9f: {  	s15 =	spop (v2sf);
	s14 =	sadd.s32 $0x3D00, s14;
	s31 =	sadd.s32 $0x7B0, s13  }
0xa0: {  	[hbm4b:s31+s2] =	stream.linear.scatter [tilespmem:s14], [sflag:$0x2], $0x80, $0x38;
	[tilespmem:$0x4100] =	vst v63  }
0xa1: {  	s16 =	sshll.u32 s15, $0xB;
	s14 =	sshll.u32 s15, $0x7  }
0xa2: {  	s15 =	sand.u32 $0xFFFFC000, s16;
	s14 =	sand.u32 $0x380, s14  }
0xa3: {  	s14 =	sor.u32 s14, s15  }
0xa4: {  	s17 =	sadd.s32 $0x40, s13;
	s18 =	sadd.s32 $0x100, s14  }
0xa5: {  	[hbm4b:s17+s2] =	stream.linear.scatter [tilespmem:s18], [sflag:$0x2], $0x80, $0x38;
	[tilespmem:$0x4100] =	vst v63  }
0xa6: {  	s20 =	sadd.s32 $0xC0, s13;
	s19 =	sadd.s32 $0x500, s14  }
0xa7: {  	[hbm4b:s20+s2] =	stream.linear.scatter [tilespmem:s19], [sflag:$0x2], $0x80, $0x38;
	[tilespmem:$0x4100] =	vst v63  }
0xa8: {  	s22 =	sadd.s32 $0x140, s13;
	s21 =	sadd.s32 $0x900, s14  }
0xa9: {  	[hbm4b:s22+s2] =	stream.linear.scatter [tilespmem:s21], [sflag:$0x2], $0x80, $0x38;
	[tilespmem:$0x4100] =	vst v63  }
0xaa: {  	s24 =	sadd.s32 $0x1C0, s13;
	s23 =	sadd.s32 $0xD00, s14  }
0xab: {  	[hbm4b:s24+s2] =	stream.linear.scatter [tilespmem:s23], [sflag:$0x2], $0x80, $0x38;
	[tilespmem:$0x4100] =	vst v63  }
0xac: {  	s26 =	sadd.s32 $0x240, s13;
	s25 =	sadd.s32 $0x1100, s14  }
0xad: {  	[hbm4b:s26+s2] =	stream.linear.scatter [tilespmem:s25], [sflag:$0x2], $0x80, $0x38;
	[tilespmem:$0x4100] =	vst v63  }
0xae: {  	s29 =	sadd.s32 $0x2C0, s13;
	s28 =	sadd.s32 $0x1500, s14  }
0xaf: {  	[hbm4b:s29+s2] =	stream.linear.scatter [tilespmem:s28], [sflag:$0x2], $0x80, $0x38;
	[tilespmem:$0x4100] =	vst v63  }
0xb0: {  	s31 =	sadd.s32 $0x340, s13;
	s30 =	sadd.s32 $0x1900, s14  }
0xb1: {  	[hbm4b:s31+s2] =	stream.linear.scatter [tilespmem:s30], [sflag:$0x2], $0x80, $0x38;
	[tilespmem:$0x4100] =	vst v63  }
0xb2: {  	s17 =	sadd.s32 $0x1D00, s14;
	s18 =	sadd.s32 $0x3C0, s13  }
0xb3: {  	(v2sf) =	vpush v0, $0x5;
	[hbm4b:s18+s2] =	stream.linear.scatter [tilespmem:s17], [sflag:$0x2], $0x80, $0x38;
	[tilespmem:$0x4100] =	vst v63  }
0xb4: {  	s19 =	sadd.s32 $0x2100, s14;
	s20 =	sadd.s32 $0x440, s13  }
0xb5: {  	[hbm4b:s20+s2] =	stream.linear.scatter [tilespmem:s19], [sflag:$0x2], $0x80, $0x38;
	[tilespmem:$0x4100] =	vst v63  }
0xb6: {  	s21 =	sadd.s32 $0x2500, s14;
	s22 =	sadd.s32 $0x4C0, s13  }
0xb7: {  	[hbm4b:s22+s2] =	stream.linear.scatter [tilespmem:s21], [sflag:$0x2], $0x80, $0x38;
	[tilespmem:$0x4100] =	vst v63  }
0xb8: {  	s23 =	sadd.s32 $0x2900, s14;
	s24 =	sadd.s32 $0x540, s13  }
0xb9: {  	[hbm4b:s24+s2] =	stream.linear.scatter [tilespmem:s23], [sflag:$0x2], $0x80, $0x38;
	[tilespmem:$0x4100] =	vst v63  }
0xba: {  	s25 =	sadd.s32 $0x2D00, s14;
	s26 =	sadd.s32 $0x5C0, s13  }
0xbb: {  	[hbm4b:s26+s2] =	stream.linear.scatter [tilespmem:s25], [sflag:$0x2], $0x80, $0x38;
	[tilespmem:$0x4100] =	vst v63  }
0xbc: {  	s28 =	sadd.s32 $0x3100, s14;
	s29 =	sadd.s32 $0x640, s13  }
0xbd: {  	[hbm4b:s29+s2] =	stream.linear.scatter [tilespmem:s28], [sflag:$0x2], $0x80, $0x38;
	[tilespmem:$0x4100] =	vst v63  }
0xbe: {  	s30 =	sadd.s32 $0x3500, s14;
	s31 =	sadd.s32 $0x6C0, s13  }
0xbf: {  	[hbm4b:s31+s2] =	stream.linear.scatter [tilespmem:s30], [sflag:$0x2], $0x80, $0x38;
	[tilespmem:$0x4100] =	vst v63  }
0xc0: {  	s16 =	sadd.s32 $0x3900, s14;
	s17 =	sadd.s32 $0x740, s13  }
0xc1: {  	[hbm4b:s17+s2] =	stream.linear.scatter [tilespmem:s16], [sflag:$0x2], $0x80, $0x38;
	[tilespmem:$0x4100] =	vst v63  }
0xc2: {  	s14 =	sadd.s32 $0x3D00, s14;
	s18 =	sadd.s32 $0x7C0, s13;
	s19 =	spop (v2sf)  }
0xc3: {  	[hbm4b:s18+s2] =	stream.linear.scatter [tilespmem:s14], [sflag:$0x2], $0x80, $0x38;
	[tilespmem:$0x4100] =	vst v63  }
0xc4: {  	s20 =	sshll.u32 s19, $0xB;
	s14 =	sshll.u32 s19, $0x7  }
0xc5: {  	s15 =	sand.u32 $0xFFFFC000, s20;
	s14 =	sand.u32 $0x380, s14  }
0xc6: {  	s14 =	sor.u32 s14, s15  }
0xc7: {  	s21 =	sadd.s32 $0x50, s13;
	s22 =	sadd.s32 $0x100, s14  }
0xc8: {  	[hbm4b:s21+s2] =	stream.linear.scatter [tilespmem:s22], [sflag:$0x2], $0x80, $0x38;
	[tilespmem:$0x4100] =	vst v63  }
0xc9: {  	s24 =	sadd.s32 $0xD0, s13;
	s23 =	sadd.s32 $0x500, s14  }
0xca: {  	[hbm4b:s24+s2] =	stream.linear.scatter [tilespmem:s23], [sflag:$0x2], $0x80, $0x38;
	[tilespmem:$0x4100] =	vst v63  }
0xcb: {  	s26 =	sadd.s32 $0x150, s13;
	s25 =	sadd.s32 $0x900, s14  }
0xcc: {  	[hbm4b:s26+s2] =	stream.linear.scatter [tilespmem:s25], [sflag:$0x2], $0x80, $0x38;
	[tilespmem:$0x4100] =	vst v63  }
0xcd: {  	s29 =	sadd.s32 $0x1D0, s13;
	s28 =	sadd.s32 $0xD00, s14  }
0xce: {  	[hbm4b:s29+s2] =	stream.linear.scatter [tilespmem:s28], [sflag:$0x2], $0x80, $0x38;
	[tilespmem:$0x4100] =	vst v63  }
0xcf: {  	s31 =	sadd.s32 $0x250, s13;
	s30 =	sadd.s32 $0x1100, s14  }
0xd0: {  	[hbm4b:s31+s2] =	stream.linear.scatter [tilespmem:s30], [sflag:$0x2], $0x80, $0x38;
	[tilespmem:$0x4100] =	vst v63  }
0xd1: {  	s18 =	sadd.s32 $0x2D0, s13;
	s17 =	sadd.s32 $0x1500, s14  }
0xd2: {  	[hbm4b:s18+s2] =	stream.linear.scatter [tilespmem:s17], [sflag:$0x2], $0x80, $0x38;
	[tilespmem:$0x4100] =	vst v63  }
0xd3: {  	s20 =	sadd.s32 $0x350, s13;
	s19 =	sadd.s32 $0x1900, s14  }
0xd4: {  	[hbm4b:s20+s2] =	stream.linear.scatter [tilespmem:s19], [sflag:$0x2], $0x80, $0x38;
	[tilespmem:$0x4100] =	vst v63  }
0xd5: {  	s21 =	sadd.s32 $0x1D00, s14;
	s22 =	sadd.s32 $0x3D0, s13  }
0xd6: {  	(v2sf) =	vpush v0, $0x6;
	[hbm4b:s22+s2] =	stream.linear.scatter [tilespmem:s21], [sflag:$0x2], $0x80, $0x38;
	[tilespmem:$0x4100] =	vst v63  }
0xd7: {  	s23 =	sadd.s32 $0x2100, s14;
	s24 =	sadd.s32 $0x450, s13  }
0xd8: {  	[hbm4b:s24+s2] =	stream.linear.scatter [tilespmem:s23], [sflag:$0x2], $0x80, $0x38;
	[tilespmem:$0x4100] =	vst v63  }
0xd9: {  	s25 =	sadd.s32 $0x2500, s14;
	s26 =	sadd.s32 $0x4D0, s13  }
0xda: {  	[hbm4b:s26+s2] =	stream.linear.scatter [tilespmem:s25], [sflag:$0x2], $0x80, $0x38;
	[tilespmem:$0x4100] =	vst v63  }
0xdb: {  	s28 =	sadd.s32 $0x2900, s14;
	s29 =	sadd.s32 $0x550, s13  }
0xdc: {  	[hbm4b:s29+s2] =	stream.linear.scatter [tilespmem:s28], [sflag:$0x2], $0x80, $0x38;
	[tilespmem:$0x4100] =	vst v63  }
0xdd: {  	s30 =	sadd.s32 $0x2D00, s14;
	s31 =	sadd.s32 $0x5D0, s13  }
0xde: {  	[hbm4b:s31+s2] =	stream.linear.scatter [tilespmem:s30], [sflag:$0x2], $0x80, $0x38;
	[tilespmem:$0x4100] =	vst v63  }
0xdf: {  	s16 =	sadd.s32 $0x3100, s14;
	s17 =	sadd.s32 $0x650, s13  }
0xe0: {  	[hbm4b:s17+s2] =	stream.linear.scatter [tilespmem:s16], [sflag:$0x2], $0x80, $0x38;
	[tilespmem:$0x4100] =	vst v63  }
0xe1: {  	s18 =	sadd.s32 $0x3500, s14;
	s19 =	sadd.s32 $0x6D0, s13  }
0xe2: {  	[hbm4b:s19+s2] =	stream.linear.scatter [tilespmem:s18], [sflag:$0x2], $0x80, $0x38;
	[tilespmem:$0x4100] =	vst v63  }
0xe3: {  	s20 =	sadd.s32 $0x3900, s14;
	s21 =	sadd.s32 $0x750, s13  }
0xe4: {  	[hbm4b:s21+s2] =	stream.linear.scatter [tilespmem:s20], [sflag:$0x2], $0x80, $0x38;
	[tilespmem:$0x4100] =	vst v63  }
0xe5: {  	s14 =	sadd.s32 $0x3D00, s14;
	s22 =	sadd.s32 $0x7D0, s13;
	s23 =	spop (v2sf)  }
0xe6: {  	[hbm4b:s22+s2] =	stream.linear.scatter [tilespmem:s14], [sflag:$0x2], $0x80, $0x38;
	[tilespmem:$0x4100] =	vst v63  }
0xe7: {  	s24 =	sshll.u32 s23, $0xB;
	s14 =	sshll.u32 s23, $0x7  }
0xe8: {  	s15 =	sand.u32 $0xFFFFC000, s24;
	s14 =	sand.u32 $0x380, s14  }
0xe9: {  	s14 =	sor.u32 s14, s15  }
0xea: {  	s25 =	sadd.s32 $0x60, s13;
	s26 =	sadd.s32 $0x100, s14  }
0xeb: {  	[hbm4b:s25+s2] =	stream.linear.scatter [tilespmem:s26], [sflag:$0x2], $0x80, $0x38;
	[tilespmem:$0x4100] =	vst v63  }
0xec: {  	s29 =	sadd.s32 $0xE0, s13;
	s28 =	sadd.s32 $0x500, s14  }
0xed: {  	[hbm4b:s29+s2] =	stream.linear.scatter [tilespmem:s28], [sflag:$0x2], $0x80, $0x38;
	[tilespmem:$0x4100] =	vst v63  }
0xee: {  	s31 =	sadd.s32 $0x160, s13;
	s30 =	sadd.s32 $0x900, s14  }
0xef: {  	[hbm4b:s31+s2] =	stream.linear.scatter [tilespmem:s30], [sflag:$0x2], $0x80, $0x38;
	[tilespmem:$0x4100] =	vst v63  }
0xf0: {  	s18 =	sadd.s32 $0x1E0, s13;
	s17 =	sadd.s32 $0xD00, s14  }
0xf1: {  	[hbm4b:s18+s2] =	stream.linear.scatter [tilespmem:s17], [sflag:$0x2], $0x80, $0x38;
	[tilespmem:$0x4100] =	vst v63  }
0xf2: {  	s20 =	sadd.s32 $0x260, s13;
	s19 =	sadd.s32 $0x1100, s14  }
0xf3: {  	[hbm4b:s20+s2] =	stream.linear.scatter [tilespmem:s19], [sflag:$0x2], $0x80, $0x38;
	[tilespmem:$0x4100] =	vst v63  }
0xf4: {  	s22 =	sadd.s32 $0x2E0, s13;
	s21 =	sadd.s32 $0x1500, s14  }
0xf5: {  	[hbm4b:s22+s2] =	stream.linear.scatter [tilespmem:s21], [sflag:$0x2], $0x80, $0x38;
	[tilespmem:$0x4100] =	vst v63  }
0xf6: {  	s24 =	sadd.s32 $0x360, s13;
	s23 =	sadd.s32 $0x1900, s14  }
0xf7: {  	[hbm4b:s24+s2] =	stream.linear.scatter [tilespmem:s23], [sflag:$0x2], $0x80, $0x38;
	[tilespmem:$0x4100] =	vst v63  }
0xf8: {  	s25 =	sadd.s32 $0x1D00, s14;
	s26 =	sadd.s32 $0x3E0, s13  }
0xf9: {  	(v2sf) =	vpush v0, $0x7;
	[hbm4b:s26+s2] =	stream.linear.scatter [tilespmem:s25], [sflag:$0x2], $0x80, $0x38;
	[tilespmem:$0x4100] =	vst v63  }
0xfa: {  	s28 =	sadd.s32 $0x2100, s14;
	s29 =	sadd.s32 $0x460, s13  }
0xfb: {  	[hbm4b:s29+s2] =	stream.linear.scatter [tilespmem:s28], [sflag:$0x2], $0x80, $0x38;
	[tilespmem:$0x4100] =	vst v63  }
0xfc: {  	s30 =	sadd.s32 $0x2500, s14;
	s31 =	sadd.s32 $0x4E0, s13  }
0xfd: {  	[hbm4b:s31+s2] =	stream.linear.scatter [tilespmem:s30], [sflag:$0x2], $0x80, $0x38;
	[tilespmem:$0x4100] =	vst v63  }
0xfe: {  	s16 =	sadd.s32 $0x2900, s14;
	s17 =	sadd.s32 $0x560, s13  }
0xff: {  	[hbm4b:s17+s2] =	stream.linear.scatter [tilespmem:s16], [sflag:$0x2], $0x80, $0x38;
	[tilespmem:$0x4100] =	vst v63  }
0x100: {  	s18 =	sadd.s32 $0x2D00, s14;
	s19 =	sadd.s32 $0x5E0, s13  }
0x101: {  	[hbm4b:s19+s2] =	stream.linear.scatter [tilespmem:s18], [sflag:$0x2], $0x80, $0x38;
	[tilespmem:$0x4100] =	vst v63  }
0x102: {  	s20 =	sadd.s32 $0x3100, s14;
	s21 =	sadd.s32 $0x660, s13  }
0x103: {  	[hbm4b:s21+s2] =	stream.linear.scatter [tilespmem:s20], [sflag:$0x2], $0x80, $0x38;
	[tilespmem:$0x4100] =	vst v63  }
0x104: {  	s22 =	sadd.s32 $0x3500, s14;
	s23 =	sadd.s32 $0x6E0, s13  }
0x105: {  	[hbm4b:s23+s2] =	stream.linear.scatter [tilespmem:s22], [sflag:$0x2], $0x80, $0x38;
	[tilespmem:$0x4100] =	vst v63  }
0x106: {  	s24 =	sadd.s32 $0x3900, s14;
	s25 =	sadd.s32 $0x760, s13  }
0x107: {  	[hbm4b:s25+s2] =	stream.linear.scatter [tilespmem:s24], [sflag:$0x2], $0x80, $0x38;
	[tilespmem:$0x4100] =	vst v63  }
0x108: {  	s14 =	sadd.s32 $0x3D00, s14;
	s26 =	sadd.s32 $0x7E0, s13;
	s28 =	spop (v2sf)  }
0x109: {  	[hbm4b:s26+s2] =	stream.linear.scatter [tilespmem:s14], [sflag:$0x2], $0x80, $0x38;
	[tilespmem:$0x4100] =	vst v63  }
0x10a: {  	s29 =	sshll.u32 s28, $0xB;
	s14 =	sshll.u32 s28, $0x7  }
0x10b: {  	s15 =	sand.u32 $0xFFFFC000, s29;
	s14 =	sand.u32 $0x380, s14  }
0x10c: {  	s14 =	sor.u32 s14, s15  }
0x10d: {  	s30 =	sadd.s32 $0x70, s13;
	s31 =	sadd.s32 $0x100, s14  }
0x10e: {  	[hbm4b:s30+s2] =	stream.linear.scatter [tilespmem:s31], [sflag:$0x2], $0x80, $0x38;
	[tilespmem:$0x4100] =	vst v63  }
0x10f: {  	s18 =	sadd.s32 $0xF0, s13;
	s17 =	sadd.s32 $0x500, s14  }
0x110: {  	[hbm4b:s18+s2] =	stream.linear.scatter [tilespmem:s17], [sflag:$0x2], $0x80, $0x38;
	[tilespmem:$0x4100] =	vst v63  }
0x111: {  	s20 =	sadd.s32 $0x170, s13;
	s19 =	sadd.s32 $0x900, s14  }
0x112: {  	[hbm4b:s20+s2] =	stream.linear.scatter [tilespmem:s19], [sflag:$0x2], $0x80, $0x38;
	[tilespmem:$0x4100] =	vst v63  }
0x113: {  	s22 =	sadd.s32 $0x1F0, s13;
	s21 =	sadd.s32 $0xD00, s14  }
0x114: {  	[hbm4b:s22+s2] =	stream.linear.scatter [tilespmem:s21], [sflag:$0x2], $0x80, $0x38;
	[tilespmem:$0x4100] =	vst v63  }
0x115: {  	s24 =	sadd.s32 $0x270, s13;
	s23 =	sadd.s32 $0x1100, s14  }
0x116: {  	[hbm4b:s24+s2] =	stream.linear.scatter [tilespmem:s23], [sflag:$0x2], $0x80, $0x38;
	[tilespmem:$0x4100] =	vst v63  }
0x117: {  	s26 =	sadd.s32 $0x2F0, s13;
	s25 =	sadd.s32 $0x1500, s14  }
0x118: {  	[hbm4b:s26+s2] =	stream.linear.scatter [tilespmem:s25], [sflag:$0x2], $0x80, $0x38;
	[tilespmem:$0x4100] =	vst v63  }
0x119: {  	s29 =	sadd.s32 $0x370, s13;
	s28 =	sadd.s32 $0x1900, s14  }
0x11a: {  	[hbm4b:s29+s2] =	stream.linear.scatter [tilespmem:s28], [sflag:$0x2], $0x80, $0x38;
	[tilespmem:$0x4100] =	vst v63  }
0x11b: {  	s30 =	sadd.s32 $0x1D00, s14;
	s31 =	sadd.s32 $0x3F0, s13  }
0x11c: {  	(v2sf) =	vpush v0, $0x8;
	[hbm4b:s31+s2] =	stream.linear.scatter [tilespmem:s30], [sflag:$0x2], $0x80, $0x38;
	[tilespmem:$0x4100] =	vst v63  }
0x11d: {  	s16 =	sadd.s32 $0x2100, s14;
	s17 =	sadd.s32 $0x470, s13  }
0x11e: {  	[hbm4b:s17+s2] =	stream.linear.scatter [tilespmem:s16], [sflag:$0x2], $0x80, $0x38;
	[tilespmem:$0x4100] =	vst v63  }
0x11f: {  	s18 =	sadd.s32 $0x2500, s14;
	s19 =	sadd.s32 $0x4F0, s13  }
0x120: {  	[hbm4b:s19+s2] =	stream.linear.scatter [tilespmem:s18], [sflag:$0x2], $0x80, $0x38;
	[tilespmem:$0x4100] =	vst v63  }
0x121: {  	s20 =	sadd.s32 $0x2900, s14;
	s21 =	sadd.s32 $0x570, s13  }
0x122: {  	[hbm4b:s21+s2] =	stream.linear.scatter [tilespmem:s20], [sflag:$0x2], $0x80, $0x38;
	[tilespmem:$0x4100] =	vst v63  }
0x123: {  	s22 =	sadd.s32 $0x2D00, s14;
	s23 =	sadd.s32 $0x5F0, s13  }
0x124: {  	[hbm4b:s23+s2] =	stream.linear.scatter [tilespmem:s22], [sflag:$0x2], $0x80, $0x38;
	[tilespmem:$0x4100] =	vst v63  }
0x125: {  	s24 =	sadd.s32 $0x3100, s14;
	s25 =	sadd.s32 $0x670, s13  }
0x126: {  	[hbm4b:s25+s2] =	stream.linear.scatter [tilespmem:s24], [sflag:$0x2], $0x80, $0x38;
	[tilespmem:$0x4100] =	vst v63  }
0x127: {  	s26 =	sadd.s32 $0x3500, s14;
	s28 =	sadd.s32 $0x6F0, s13  }
0x128: {  	[hbm4b:s28+s2] =	stream.linear.scatter [tilespmem:s26], [sflag:$0x2], $0x80, $0x38;
	[tilespmem:$0x4100] =	vst v63  }
0x129: {  	s29 =	sadd.s32 $0x3900, s14;
	s30 =	sadd.s32 $0x770, s13  }
0x12a: {  	[hbm4b:s30+s2] =	stream.linear.scatter [tilespmem:s29], [sflag:$0x2], $0x80, $0x38;
	[tilespmem:$0x4100] =	vst v63  }
0x12b: {  	s15 =	spop (v2sf);
	s14 =	sadd.s32 $0x3D00, s14;
	s31 =	sadd.s32 $0x7F0, s13  }
0x12c: {  	[hbm4b:s31+s2] =	stream.linear.scatter [tilespmem:s14], [sflag:$0x2], $0x80, $0x38;
	[tilespmem:$0x4100] =	vst v63  }
0x12d: {  	s16 =	sshll.u32 s15, $0xB;
	s14 =	sshll.u32 s15, $0x7  }
0x12e: {  	s15 =	sand.u32 $0xFFFFC000, s16;
	s14 =	sand.u32 $0x380, s14  }
0x12f: {  	s14 =	sor.u32 s14, s15  }
0x130: {  	s17 =	sadd.s32 $0x800, s13;
	s18 =	sadd.s32 $0x100, s14  }
0x131: {  	[hbm4b:s17+s2] =	stream.linear.scatter [tilespmem:s18], [sflag:$0x2], $0x80, $0x38;
	[tilespmem:$0x4100] =	vst v63  }
0x132: {  	s20 =	sadd.s32 $0x880, s13;
	s19 =	sadd.s32 $0x500, s14  }
0x133: {  	[hbm4b:s20+s2] =	stream.linear.scatter [tilespmem:s19], [sflag:$0x2], $0x80, $0x38;
	[tilespmem:$0x4100] =	vst v63  }
0x134: {  	s22 =	sadd.s32 $0x900, s13;
	s21 =	sadd.s32 $0x900, s14  }
0x135: {  	[hbm4b:s22+s2] =	stream.linear.scatter [tilespmem:s21], [sflag:$0x2], $0x80, $0x38;
	[tilespmem:$0x4100] =	vst v63  }
0x136: {  	s24 =	sadd.s32 $0x980, s13;
	s23 =	sadd.s32 $0xD00, s14  }
0x137: {  	[hbm4b:s24+s2] =	stream.linear.scatter [tilespmem:s23], [sflag:$0x2], $0x80, $0x38;
	[tilespmem:$0x4100] =	vst v63  }
0x138: {  	s26 =	sadd.s32 $0xA00, s13;
	s25 =	sadd.s32 $0x1100, s14  }
0x139: {  	[hbm4b:s26+s2] =	stream.linear.scatter [tilespmem:s25], [sflag:$0x2], $0x80, $0x38;
	[tilespmem:$0x4100] =	vst v63  }
0x13a: {  	s29 =	sadd.s32 $0xA80, s13;
	s28 =	sadd.s32 $0x1500, s14  }
0x13b: {  	[hbm4b:s29+s2] =	stream.linear.scatter [tilespmem:s28], [sflag:$0x2], $0x80, $0x38;
	[tilespmem:$0x4100] =	vst v63  }
0x13c: {  	s31 =	sadd.s32 $0xB00, s13;
	s30 =	sadd.s32 $0x1900, s14  }
0x13d: {  	[hbm4b:s31+s2] =	stream.linear.scatter [tilespmem:s30], [sflag:$0x2], $0x80, $0x38;
	[tilespmem:$0x4100] =	vst v63  }
0x13e: {  	s17 =	sadd.s32 $0x1D00, s14;
	s18 =	sadd.s32 $0xB80, s13  }
0x13f: {  	(v2sf) =	vpush v0, $0x9;
	[hbm4b:s18+s2] =	stream.linear.scatter [tilespmem:s17], [sflag:$0x2], $0x80, $0x38;
	[tilespmem:$0x4100] =	vst v63  }
0x140: {  	s19 =	sadd.s32 $0x2100, s14;
	s20 =	sadd.s32 $0xC00, s13  }
0x141: {  	[hbm4b:s20+s2] =	stream.linear.scatter [tilespmem:s19], [sflag:$0x2], $0x80, $0x38;
	[tilespmem:$0x4100] =	vst v63  }
0x142: {  	s21 =	sadd.s32 $0x2500, s14;
	s22 =	sadd.s32 $0xC80, s13  }
0x143: {  	[hbm4b:s22+s2] =	stream.linear.scatter [tilespmem:s21], [sflag:$0x2], $0x80, $0x38;
	[tilespmem:$0x4100] =	vst v63  }
0x144: {  	s23 =	sadd.s32 $0x2900, s14;
	s24 =	sadd.s32 $0xD00, s13  }
0x145: {  	[hbm4b:s24+s2] =	stream.linear.scatter [tilespmem:s23], [sflag:$0x2], $0x80, $0x38;
	[tilespmem:$0x4100] =	vst v63  }
0x146: {  	s25 =	sadd.s32 $0x2D00, s14;
	s26 =	sadd.s32 $0xD80, s13  }
0x147: {  	[hbm4b:s26+s2] =	stream.linear.scatter [tilespmem:s25], [sflag:$0x2], $0x80, $0x38;
	[tilespmem:$0x4100] =	vst v63  }
0x148: {  	s28 =	sadd.s32 $0x3100, s14;
	s29 =	sadd.s32 $0xE00, s13  }
0x149: {  	[hbm4b:s29+s2] =	stream.linear.scatter [tilespmem:s28], [sflag:$0x2], $0x80, $0x38;
	[tilespmem:$0x4100] =	vst v63  }
0x14a: {  	s30 =	sadd.s32 $0x3500, s14;
	s31 =	sadd.s32 $0xE80, s13  }
0x14b: {  	[hbm4b:s31+s2] =	stream.linear.scatter [tilespmem:s30], [sflag:$0x2], $0x80, $0x38;
	[tilespmem:$0x4100] =	vst v63  }
0x14c: {  	s16 =	sadd.s32 $0x3900, s14;
	s17 =	sadd.s32 $0xF00, s13  }
0x14d: {  	[hbm4b:s17+s2] =	stream.linear.scatter [tilespmem:s16], [sflag:$0x2], $0x80, $0x38;
	[tilespmem:$0x4100] =	vst v63  }
0x14e: {  	s14 =	sadd.s32 $0x3D00, s14;
	s18 =	sadd.s32 $0xF80, s13;
	s19 =	spop (v2sf)  }
0x14f: {  	[hbm4b:s18+s2] =	stream.linear.scatter [tilespmem:s14], [sflag:$0x2], $0x80, $0x38;
	[tilespmem:$0x4100] =	vst v63  }
0x150: {  	s20 =	sshll.u32 s19, $0xB;
	s14 =	sshll.u32 s19, $0x7  }
0x151: {  	s15 =	sand.u32 $0xFFFFC000, s20;
	s14 =	sand.u32 $0x380, s14  }
0x152: {  	s14 =	sor.u32 s14, s15  }
0x153: {  	s21 =	sadd.s32 $0x810, s13;
	s22 =	sadd.s32 $0x100, s14  }
0x154: {  	[hbm4b:s21+s2] =	stream.linear.scatter [tilespmem:s22], [sflag:$0x2], $0x80, $0x38;
	[tilespmem:$0x4100] =	vst v63  }
0x155: {  	s24 =	sadd.s32 $0x890, s13;
	s23 =	sadd.s32 $0x500, s14  }
0x156: {  	[hbm4b:s24+s2] =	stream.linear.scatter [tilespmem:s23], [sflag:$0x2], $0x80, $0x38;
	[tilespmem:$0x4100] =	vst v63  }
0x157: {  	s26 =	sadd.s32 $0x910, s13;
	s25 =	sadd.s32 $0x900, s14  }
0x158: {  	[hbm4b:s26+s2] =	stream.linear.scatter [tilespmem:s25], [sflag:$0x2], $0x80, $0x38;
	[tilespmem:$0x4100] =	vst v63  }
0x159: {  	s29 =	sadd.s32 $0x990, s13;
	s28 =	sadd.s32 $0xD00, s14  }
0x15a: {  	[hbm4b:s29+s2] =	stream.linear.scatter [tilespmem:s28], [sflag:$0x2], $0x80, $0x38;
	[tilespmem:$0x4100] =	vst v63  }
0x15b: {  	s31 =	sadd.s32 $0xA10, s13;
	s30 =	sadd.s32 $0x1100, s14  }
0x15c: {  	[hbm4b:s31+s2] =	stream.linear.scatter [tilespmem:s30], [sflag:$0x2], $0x80, $0x38;
	[tilespmem:$0x4100] =	vst v63  }
0x15d: {  	s18 =	sadd.s32 $0xA90, s13;
	s17 =	sadd.s32 $0x1500, s14  }
0x15e: {  	[hbm4b:s18+s2] =	stream.linear.scatter [tilespmem:s17], [sflag:$0x2], $0x80, $0x38;
	[tilespmem:$0x4100] =	vst v63  }
0x15f: {  	s20 =	sadd.s32 $0xB10, s13;
	s19 =	sadd.s32 $0x1900, s14  }
0x160: {  	[hbm4b:s20+s2] =	stream.linear.scatter [tilespmem:s19], [sflag:$0x2], $0x80, $0x38;
	[tilespmem:$0x4100] =	vst v63  }
0x161: {  	s21 =	sadd.s32 $0x1D00, s14;
	s22 =	sadd.s32 $0xB90, s13  }
0x162: {  	(v2sf) =	vpush v0, $0xA;
	[hbm4b:s22+s2] =	stream.linear.scatter [tilespmem:s21], [sflag:$0x2], $0x80, $0x38;
	[tilespmem:$0x4100] =	vst v63  }
0x163: {  	s23 =	sadd.s32 $0x2100, s14;
	s24 =	sadd.s32 $0xC10, s13  }
0x164: {  	[hbm4b:s24+s2] =	stream.linear.scatter [tilespmem:s23], [sflag:$0x2], $0x80, $0x38;
	[tilespmem:$0x4100] =	vst v63  }
0x165: {  	s25 =	sadd.s32 $0x2500, s14;
	s26 =	sadd.s32 $0xC90, s13  }
0x166: {  	[hbm4b:s26+s2] =	stream.linear.scatter [tilespmem:s25], [sflag:$0x2], $0x80, $0x38;
	[tilespmem:$0x4100] =	vst v63  }
0x167: {  	s28 =	sadd.s32 $0x2900, s14;
	s29 =	sadd.s32 $0xD10, s13  }
0x168: {  	[hbm4b:s29+s2] =	stream.linear.scatter [tilespmem:s28], [sflag:$0x2], $0x80, $0x38;
	[tilespmem:$0x4100] =	vst v63  }
0x169: {  	s30 =	sadd.s32 $0x2D00, s14;
	s31 =	sadd.s32 $0xD90, s13  }
0x16a: {  	[hbm4b:s31+s2] =	stream.linear.scatter [tilespmem:s30], [sflag:$0x2], $0x80, $0x38;
	[tilespmem:$0x4100] =	vst v63  }
0x16b: {  	s16 =	sadd.s32 $0x3100, s14;
	s17 =	sadd.s32 $0xE10, s13  }
0x16c: {  	[hbm4b:s17+s2] =	stream.linear.scatter [tilespmem:s16], [sflag:$0x2], $0x80, $0x38;
	[tilespmem:$0x4100] =	vst v63  }
0x16d: {  	s18 =	sadd.s32 $0x3500, s14;
	s19 =	sadd.s32 $0xE90, s13  }
0x16e: {  	[hbm4b:s19+s2] =	stream.linear.scatter [tilespmem:s18], [sflag:$0x2], $0x80, $0x38;
	[tilespmem:$0x4100] =	vst v63  }
0x16f: {  	s20 =	sadd.s32 $0x3900, s14;
	s21 =	sadd.s32 $0xF10, s13  }
0x170: {  	[hbm4b:s21+s2] =	stream.linear.scatter [tilespmem:s20], [sflag:$0x2], $0x80, $0x38;
	[tilespmem:$0x4100] =	vst v63  }
0x171: {  	s14 =	sadd.s32 $0x3D00, s14;
	s22 =	sadd.s32 $0xF90, s13;
	s23 =	spop (v2sf)  }
0x172: {  	[hbm4b:s22+s2] =	stream.linear.scatter [tilespmem:s14], [sflag:$0x2], $0x80, $0x38;
	[tilespmem:$0x4100] =	vst v63  }
0x173: {  	s24 =	sshll.u32 s23, $0xB;
	s14 =	sshll.u32 s23, $0x7  }
0x174: {  	s15 =	sand.u32 $0xFFFFC000, s24;
	s14 =	sand.u32 $0x380, s14  }
0x175: {  	s14 =	sor.u32 s14, s15  }
0x176: {  	s25 =	sadd.s32 $0x820, s13;
	s26 =	sadd.s32 $0x100, s14  }
0x177: {  	[hbm4b:s25+s2] =	stream.linear.scatter [tilespmem:s26], [sflag:$0x2], $0x80, $0x38;
	[tilespmem:$0x4100] =	vst v63  }
0x178: {  	s29 =	sadd.s32 $0x8A0, s13;
	s28 =	sadd.s32 $0x500, s14  }
0x179: {  	[hbm4b:s29+s2] =	stream.linear.scatter [tilespmem:s28], [sflag:$0x2], $0x80, $0x38;
	[tilespmem:$0x4100] =	vst v63  }
0x17a: {  	s31 =	sadd.s32 $0x920, s13;
	s30 =	sadd.s32 $0x900, s14  }
0x17b: {  	[hbm4b:s31+s2] =	stream.linear.scatter [tilespmem:s30], [sflag:$0x2], $0x80, $0x38;
	[tilespmem:$0x4100] =	vst v63  }
0x17c: {  	s18 =	sadd.s32 $0x9A0, s13;
	s17 =	sadd.s32 $0xD00, s14  }
0x17d: {  	[hbm4b:s18+s2] =	stream.linear.scatter [tilespmem:s17], [sflag:$0x2], $0x80, $0x38;
	[tilespmem:$0x4100] =	vst v63  }
0x17e: {  	s20 =	sadd.s32 $0xA20, s13;
	s19 =	sadd.s32 $0x1100, s14  }
0x17f: {  	[hbm4b:s20+s2] =	stream.linear.scatter [tilespmem:s19], [sflag:$0x2], $0x80, $0x38;
	[tilespmem:$0x4100] =	vst v63  }
0x180: {  	s22 =	sadd.s32 $0xAA0, s13;
	s21 =	sadd.s32 $0x1500, s14  }
0x181: {  	[hbm4b:s22+s2] =	stream.linear.scatter [tilespmem:s21], [sflag:$0x2], $0x80, $0x38;
	[tilespmem:$0x4100] =	vst v63  }
0x182: {  	s24 =	sadd.s32 $0xB20, s13;
	s23 =	sadd.s32 $0x1900, s14  }
0x183: {  	[hbm4b:s24+s2] =	stream.linear.scatter [tilespmem:s23], [sflag:$0x2], $0x80, $0x38;
	[tilespmem:$0x4100] =	vst v63  }
0x184: {  	s25 =	sadd.s32 $0x1D00, s14;
	s26 =	sadd.s32 $0xBA0, s13  }
0x185: {  	(v2sf) =	vpush v0, $0xB;
	[hbm4b:s26+s2] =	stream.linear.scatter [tilespmem:s25], [sflag:$0x2], $0x80, $0x38;
	[tilespmem:$0x4100] =	vst v63  }
0x186: {  	s28 =	sadd.s32 $0x2100, s14;
	s29 =	sadd.s32 $0xC20, s13  }
0x187: {  	[hbm4b:s29+s2] =	stream.linear.scatter [tilespmem:s28], [sflag:$0x2], $0x80, $0x38;
	[tilespmem:$0x4100] =	vst v63  }
0x188: {  	s30 =	sadd.s32 $0x2500, s14;
	s31 =	sadd.s32 $0xCA0, s13  }
0x189: {  	[hbm4b:s31+s2] =	stream.linear.scatter [tilespmem:s30], [sflag:$0x2], $0x80, $0x38;
	[tilespmem:$0x4100] =	vst v63  }
0x18a: {  	s16 =	sadd.s32 $0x2900, s14;
	s17 =	sadd.s32 $0xD20, s13  }
0x18b: {  	[hbm4b:s17+s2] =	stream.linear.scatter [tilespmem:s16], [sflag:$0x2], $0x80, $0x38;
	[tilespmem:$0x4100] =	vst v63  }
0x18c: {  	s18 =	sadd.s32 $0x2D00, s14;
	s19 =	sadd.s32 $0xDA0, s13  }
0x18d: {  	[hbm4b:s19+s2] =	stream.linear.scatter [tilespmem:s18], [sflag:$0x2], $0x80, $0x38;
	[tilespmem:$0x4100] =	vst v63  }
0x18e: {  	s20 =	sadd.s32 $0x3100, s14;
	s21 =	sadd.s32 $0xE20, s13  }
0x18f: {  	[hbm4b:s21+s2] =	stream.linear.scatter [tilespmem:s20], [sflag:$0x2], $0x80, $0x38;
	[tilespmem:$0x4100] =	vst v63  }
0x190: {  	s22 =	sadd.s32 $0x3500, s14;
	s23 =	sadd.s32 $0xEA0, s13  }
0x191: {  	[hbm4b:s23+s2] =	stream.linear.scatter [tilespmem:s22], [sflag:$0x2], $0x80, $0x38;
	[tilespmem:$0x4100] =	vst v63  }
0x192: {  	s24 =	sadd.s32 $0x3900, s14;
	s25 =	sadd.s32 $0xF20, s13  }
0x193: {  	[hbm4b:s25+s2] =	stream.linear.scatter [tilespmem:s24], [sflag:$0x2], $0x80, $0x38;
	[tilespmem:$0x4100] =	vst v63  }
0x194: {  	s14 =	sadd.s32 $0x3D00, s14;
	s26 =	sadd.s32 $0xFA0, s13;
	s28 =	spop (v2sf)  }
0x195: {  	[hbm4b:s26+s2] =	stream.linear.scatter [tilespmem:s14], [sflag:$0x2], $0x80, $0x38;
	[tilespmem:$0x4100] =	vst v63  }
0x196: {  	s29 =	sshll.u32 s28, $0xB;
	s14 =	sshll.u32 s28, $0x7  }
0x197: {  	s15 =	sand.u32 $0xFFFFC000, s29;
	s14 =	sand.u32 $0x380, s14  }
0x198: {  	s14 =	sor.u32 s14, s15  }
0x199: {  	s30 =	sadd.s32 $0x830, s13;
	s31 =	sadd.s32 $0x100, s14  }
0x19a: {  	[hbm4b:s30+s2] =	stream.linear.scatter [tilespmem:s31], [sflag:$0x2], $0x80, $0x38;
	[tilespmem:$0x4100] =	vst v63  }
0x19b: {  	s18 =	sadd.s32 $0x8B0, s13;
	s17 =	sadd.s32 $0x500, s14  }
0x19c: {  	[hbm4b:s18+s2] =	stream.linear.scatter [tilespmem:s17], [sflag:$0x2], $0x80, $0x38;
	[tilespmem:$0x4100] =	vst v63  }
0x19d: {  	s20 =	sadd.s32 $0x930, s13;
	s19 =	sadd.s32 $0x900, s14  }
0x19e: {  	[hbm4b:s20+s2] =	stream.linear.scatter [tilespmem:s19], [sflag:$0x2], $0x80, $0x38;
	[tilespmem:$0x4100] =	vst v63  }
0x19f: {  	s22 =	sadd.s32 $0x9B0, s13;
	s21 =	sadd.s32 $0xD00, s14  }
0x1a0: {  	[hbm4b:s22+s2] =	stream.linear.scatter [tilespmem:s21], [sflag:$0x2], $0x80, $0x38;
	[tilespmem:$0x4100] =	vst v63  }
0x1a1: {  	s24 =	sadd.s32 $0xA30, s13;
	s23 =	sadd.s32 $0x1100, s14  }
0x1a2: {  	[hbm4b:s24+s2] =	stream.linear.scatter [tilespmem:s23], [sflag:$0x2], $0x80, $0x38;
	[tilespmem:$0x4100] =	vst v63  }
0x1a3: {  	s26 =	sadd.s32 $0xAB0, s13;
	s25 =	sadd.s32 $0x1500, s14  }
0x1a4: {  	[hbm4b:s26+s2] =	stream.linear.scatter [tilespmem:s25], [sflag:$0x2], $0x80, $0x38;
	[tilespmem:$0x4100] =	vst v63  }
0x1a5: {  	s29 =	sadd.s32 $0xB30, s13;
	s28 =	sadd.s32 $0x1900, s14  }
0x1a6: {  	[hbm4b:s29+s2] =	stream.linear.scatter [tilespmem:s28], [sflag:$0x2], $0x80, $0x38;
	[tilespmem:$0x4100] =	vst v63  }
0x1a7: {  	s30 =	sadd.s32 $0x1D00, s14;
	s31 =	sadd.s32 $0xBB0, s13  }
0x1a8: {  	(v2sf) =	vpush v0, $0xC;
	[hbm4b:s31+s2] =	stream.linear.scatter [tilespmem:s30], [sflag:$0x2], $0x80, $0x38;
	[tilespmem:$0x4100] =	vst v63  }
0x1a9: {  	s16 =	sadd.s32 $0x2100, s14;
	s17 =	sadd.s32 $0xC30, s13  }
0x1aa: {  	[hbm4b:s17+s2] =	stream.linear.scatter [tilespmem:s16], [sflag:$0x2], $0x80, $0x38;
	[tilespmem:$0x4100] =	vst v63  }
0x1ab: {  	s18 =	sadd.s32 $0x2500, s14;
	s19 =	sadd.s32 $0xCB0, s13  }
0x1ac: {  	[hbm4b:s19+s2] =	stream.linear.scatter [tilespmem:s18], [sflag:$0x2], $0x80, $0x38;
	[tilespmem:$0x4100] =	vst v63  }
0x1ad: {  	s20 =	sadd.s32 $0x2900, s14;
	s21 =	sadd.s32 $0xD30, s13  }
0x1ae: {  	[hbm4b:s21+s2] =	stream.linear.scatter [tilespmem:s20], [sflag:$0x2], $0x80, $0x38;
	[tilespmem:$0x4100] =	vst v63  }
0x1af: {  	s22 =	sadd.s32 $0x2D00, s14;
	s23 =	sadd.s32 $0xDB0, s13  }
0x1b0: {  	[hbm4b:s23+s2] =	stream.linear.scatter [tilespmem:s22], [sflag:$0x2], $0x80, $0x38;
	[tilespmem:$0x4100] =	vst v63  }
0x1b1: {  	s24 =	sadd.s32 $0x3100, s14;
	s25 =	sadd.s32 $0xE30, s13  }
0x1b2: {  	[hbm4b:s25+s2] =	stream.linear.scatter [tilespmem:s24], [sflag:$0x2], $0x80, $0x38;
	[tilespmem:$0x4100] =	vst v63  }
0x1b3: {  	s26 =	sadd.s32 $0x3500, s14;
	s28 =	sadd.s32 $0xEB0, s13  }
0x1b4: {  	[hbm4b:s28+s2] =	stream.linear.scatter [tilespmem:s26], [sflag:$0x2], $0x80, $0x38;
	[tilespmem:$0x4100] =	vst v63  }
0x1b5: {  	s29 =	sadd.s32 $0x3900, s14;
	s30 =	sadd.s32 $0xF30, s13  }
0x1b6: {  	[hbm4b:s30+s2] =	stream.linear.scatter [tilespmem:s29], [sflag:$0x2], $0x80, $0x38;
	[tilespmem:$0x4100] =	vst v63  }
0x1b7: {  	s15 =	spop (v2sf);
	s14 =	sadd.s32 $0x3D00, s14;
	s31 =	sadd.s32 $0xFB0, s13  }
0x1b8: {  	[hbm4b:s31+s2] =	stream.linear.scatter [tilespmem:s14], [sflag:$0x2], $0x80, $0x38;
	[tilespmem:$0x4100] =	vst v63  }
0x1b9: {  	s16 =	sshll.u32 s15, $0xB;
	s14 =	sshll.u32 s15, $0x7  }
0x1ba: {  	s15 =	sand.u32 $0xFFFFC000, s16;
	s14 =	sand.u32 $0x380, s14  }
0x1bb: {  	s14 =	sor.u32 s14, s15  }
0x1bc: {  	s17 =	sadd.s32 $0x840, s13;
	s18 =	sadd.s32 $0x100, s14  }
0x1bd: {  	[hbm4b:s17+s2] =	stream.linear.scatter [tilespmem:s18], [sflag:$0x2], $0x80, $0x38;
	[tilespmem:$0x4100] =	vst v63  }
0x1be: {  	s20 =	sadd.s32 $0x8C0, s13;
	s19 =	sadd.s32 $0x500, s14  }
0x1bf: {  	[hbm4b:s20+s2] =	stream.linear.scatter [tilespmem:s19], [sflag:$0x2], $0x80, $0x38;
	[tilespmem:$0x4100] =	vst v63  }
0x1c0: {  	s22 =	sadd.s32 $0x940, s13;
	s21 =	sadd.s32 $0x900, s14  }
0x1c1: {  	[hbm4b:s22+s2] =	stream.linear.scatter [tilespmem:s21], [sflag:$0x2], $0x80, $0x38;
	[tilespmem:$0x4100] =	vst v63  }
0x1c2: {  	s24 =	sadd.s32 $0x9C0, s13;
	s23 =	sadd.s32 $0xD00, s14  }
0x1c3: {  	[hbm4b:s24+s2] =	stream.linear.scatter [tilespmem:s23], [sflag:$0x2], $0x80, $0x38;
	[tilespmem:$0x4100] =	vst v63  }
0x1c4: {  	s26 =	sadd.s32 $0xA40, s13;
	s25 =	sadd.s32 $0x1100, s14  }
0x1c5: {  	[hbm4b:s26+s2] =	stream.linear.scatter [tilespmem:s25], [sflag:$0x2], $0x80, $0x38;
	[tilespmem:$0x4100] =	vst v63  }
0x1c6: {  	s29 =	sadd.s32 $0xAC0, s13;
	s28 =	sadd.s32 $0x1500, s14  }
0x1c7: {  	[hbm4b:s29+s2] =	stream.linear.scatter [tilespmem:s28], [sflag:$0x2], $0x80, $0x38;
	[tilespmem:$0x4100] =	vst v63  }
0x1c8: {  	s31 =	sadd.s32 $0xB40, s13;
	s30 =	sadd.s32 $0x1900, s14  }
0x1c9: {  	[hbm4b:s31+s2] =	stream.linear.scatter [tilespmem:s30], [sflag:$0x2], $0x80, $0x38;
	[tilespmem:$0x4100] =	vst v63  }
0x1ca: {  	s17 =	sadd.s32 $0x1D00, s14;
	s18 =	sadd.s32 $0xBC0, s13  }
0x1cb: {  	(v2sf) =	vpush v0, $0xD;
	[hbm4b:s18+s2] =	stream.linear.scatter [tilespmem:s17], [sflag:$0x2], $0x80, $0x38;
	[tilespmem:$0x4100] =	vst v63  }
0x1cc: {  	s19 =	sadd.s32 $0x2100, s14;
	s20 =	sadd.s32 $0xC40, s13  }
0x1cd: {  	[hbm4b:s20+s2] =	stream.linear.scatter [tilespmem:s19], [sflag:$0x2], $0x80, $0x38;
	[tilespmem:$0x4100] =	vst v63  }
0x1ce: {  	s21 =	sadd.s32 $0x2500, s14;
	s22 =	sadd.s32 $0xCC0, s13  }
0x1cf: {  	[hbm4b:s22+s2] =	stream.linear.scatter [tilespmem:s21], [sflag:$0x2], $0x80, $0x38;
	[tilespmem:$0x4100] =	vst v63  }
0x1d0: {  	s23 =	sadd.s32 $0x2900, s14;
	s24 =	sadd.s32 $0xD40, s13  }
0x1d1: {  	[hbm4b:s24+s2] =	stream.linear.scatter [tilespmem:s23], [sflag:$0x2], $0x80, $0x38;
	[tilespmem:$0x4100] =	vst v63  }
0x1d2: {  	s25 =	sadd.s32 $0x2D00, s14;
	s26 =	sadd.s32 $0xDC0, s13  }
0x1d3: {  	[hbm4b:s26+s2] =	stream.linear.scatter [tilespmem:s25], [sflag:$0x2], $0x80, $0x38;
	[tilespmem:$0x4100] =	vst v63  }
0x1d4: {  	s28 =	sadd.s32 $0x3100, s14;
	s29 =	sadd.s32 $0xE40, s13  }
0x1d5: {  	[hbm4b:s29+s2] =	stream.linear.scatter [tilespmem:s28], [sflag:$0x2], $0x80, $0x38;
	[tilespmem:$0x4100] =	vst v63  }
0x1d6: {  	s30 =	sadd.s32 $0x3500, s14;
	s31 =	sadd.s32 $0xEC0, s13  }
0x1d7: {  	[hbm4b:s31+s2] =	stream.linear.scatter [tilespmem:s30], [sflag:$0x2], $0x80, $0x38;
	[tilespmem:$0x4100] =	vst v63  }
0x1d8: {  	s16 =	sadd.s32 $0x3900, s14;
	s17 =	sadd.s32 $0xF40, s13  }
0x1d9: {  	[hbm4b:s17+s2] =	stream.linear.scatter [tilespmem:s16], [sflag:$0x2], $0x80, $0x38;
	[tilespmem:$0x4100] =	vst v63  }
0x1da: {  	s14 =	sadd.s32 $0x3D00, s14;
	s18 =	sadd.s32 $0xFC0, s13;
	s19 =	spop (v2sf)  }
0x1db: {  	[hbm4b:s18+s2] =	stream.linear.scatter [tilespmem:s14], [sflag:$0x2], $0x80, $0x38;
	[tilespmem:$0x4100] =	vst v63  }
0x1dc: {  	s20 =	sshll.u32 s19, $0xB;
	s14 =	sshll.u32 s19, $0x7  }
0x1dd: {  	s15 =	sand.u32 $0xFFFFC000, s20;
	s14 =	sand.u32 $0x380, s14  }
0x1de: {  	s14 =	sor.u32 s14, s15  }
0x1df: {  	s21 =	sadd.s32 $0x850, s13;
	s22 =	sadd.s32 $0x100, s14  }
0x1e0: {  	[hbm4b:s21+s2] =	stream.linear.scatter [tilespmem:s22], [sflag:$0x2], $0x80, $0x38;
	[tilespmem:$0x4100] =	vst v63  }
0x1e1: {  	s24 =	sadd.s32 $0x8D0, s13;
	s23 =	sadd.s32 $0x500, s14  }
0x1e2: {  	[hbm4b:s24+s2] =	stream.linear.scatter [tilespmem:s23], [sflag:$0x2], $0x80, $0x38;
	[tilespmem:$0x4100] =	vst v63  }
0x1e3: {  	s26 =	sadd.s32 $0x950, s13;
	s25 =	sadd.s32 $0x900, s14  }
0x1e4: {  	[hbm4b:s26+s2] =	stream.linear.scatter [tilespmem:s25], [sflag:$0x2], $0x80, $0x38;
	[tilespmem:$0x4100] =	vst v63  }
0x1e5: {  	s29 =	sadd.s32 $0x9D0, s13;
	s28 =	sadd.s32 $0xD00, s14  }
0x1e6: {  	[hbm4b:s29+s2] =	stream.linear.scatter [tilespmem:s28], [sflag:$0x2], $0x80, $0x38;
	[tilespmem:$0x4100] =	vst v63  }
0x1e7: {  	s31 =	sadd.s32 $0xA50, s13;
	s30 =	sadd.s32 $0x1100, s14  }
0x1e8: {  	[hbm4b:s31+s2] =	stream.linear.scatter [tilespmem:s30], [sflag:$0x2], $0x80, $0x38;
	[tilespmem:$0x4100] =	vst v63  }
0x1e9: {  	s18 =	sadd.s32 $0xAD0, s13;
	s17 =	sadd.s32 $0x1500, s14  }
0x1ea: {  	[hbm4b:s18+s2] =	stream.linear.scatter [tilespmem:s17], [sflag:$0x2], $0x80, $0x38;
	[tilespmem:$0x4100] =	vst v63  }
0x1eb: {  	s20 =	sadd.s32 $0xB50, s13;
	s19 =	sadd.s32 $0x1900, s14  }
0x1ec: {  	[hbm4b:s20+s2] =	stream.linear.scatter [tilespmem:s19], [sflag:$0x2], $0x80, $0x38;
	[tilespmem:$0x4100] =	vst v63  }
0x1ed: {  	s21 =	sadd.s32 $0x1D00, s14;
	s22 =	sadd.s32 $0xBD0, s13  }
0x1ee: {  	(v2sf) =	vpush v0, $0xE;
	[hbm4b:s22+s2] =	stream.linear.scatter [tilespmem:s21], [sflag:$0x2], $0x80, $0x38;
	[tilespmem:$0x4100] =	vst v63  }
0x1ef: {  	s23 =	sadd.s32 $0x2100, s14;
	s24 =	sadd.s32 $0xC50, s13  }
0x1f0: {  	[hbm4b:s24+s2] =	stream.linear.scatter [tilespmem:s23], [sflag:$0x2], $0x80, $0x38;
	[tilespmem:$0x4100] =	vst v63  }
0x1f1: {  	s25 =	sadd.s32 $0x2500, s14;
	s26 =	sadd.s32 $0xCD0, s13  }
0x1f2: {  	[hbm4b:s26+s2] =	stream.linear.scatter [tilespmem:s25], [sflag:$0x2], $0x80, $0x38;
	[tilespmem:$0x4100] =	vst v63  }
0x1f3: {  	s28 =	sadd.s32 $0x2900, s14;
	s29 =	sadd.s32 $0xD50, s13  }
0x1f4: {  	[hbm4b:s29+s2] =	stream.linear.scatter [tilespmem:s28], [sflag:$0x2], $0x80, $0x38;
	[tilespmem:$0x4100] =	vst v63  }
0x1f5: {  	s30 =	sadd.s32 $0x2D00, s14;
	s31 =	sadd.s32 $0xDD0, s13  }
0x1f6: {  	[hbm4b:s31+s2] =	stream.linear.scatter [tilespmem:s30], [sflag:$0x2], $0x80, $0x38;
	[tilespmem:$0x4100] =	vst v63  }
0x1f7: {  	s16 =	sadd.s32 $0x3100, s14;
	s17 =	sadd.s32 $0xE50, s13  }
0x1f8: {  	[hbm4b:s17+s2] =	stream.linear.scatter [tilespmem:s16], [sflag:$0x2], $0x80, $0x38;
	[tilespmem:$0x4100] =	vst v63  }
0x1f9: {  	s18 =	sadd.s32 $0x3500, s14;
	s19 =	sadd.s32 $0xED0, s13  }
0x1fa: {  	[hbm4b:s19+s2] =	stream.linear.scatter [tilespmem:s18], [sflag:$0x2], $0x80, $0x38;
	[tilespmem:$0x4100] =	vst v63  }
0x1fb: {  	s20 =	sadd.s32 $0x3900, s14;
	s21 =	sadd.s32 $0xF50, s13  }
0x1fc: {  	[hbm4b:s21+s2] =	stream.linear.scatter [tilespmem:s20], [sflag:$0x2], $0x80, $0x38;
	[tilespmem:$0x4100] =	vst v63  }
0x1fd: {  	s14 =	sadd.s32 $0x3D00, s14;
	s22 =	sadd.s32 $0xFD0, s13;
	s23 =	spop (v2sf)  }
0x1fe: {  	[hbm4b:s22+s2] =	stream.linear.scatter [tilespmem:s14], [sflag:$0x2], $0x80, $0x38;
	[tilespmem:$0x4100] =	vst v63  }
0x1ff: {  	s24 =	sshll.u32 s23, $0xB;
	s14 =	sshll.u32 s23, $0x7  }
0x200: {  	s15 =	sand.u32 $0xFFFFC000, s24;
	s14 =	sand.u32 $0x380, s14  }
0x201: {  	s14 =	sor.u32 s14, s15  }
0x202: {  	s25 =	sadd.s32 $0x860, s13;
	s26 =	sadd.s32 $0x100, s14  }
0x203: {  	[hbm4b:s25+s2] =	stream.linear.scatter [tilespmem:s26], [sflag:$0x2], $0x80, $0x38;
	[tilespmem:$0x4100] =	vst v63  }
0x204: {  	s29 =	sadd.s32 $0x8E0, s13;
	s28 =	sadd.s32 $0x500, s14  }
0x205: {  	[hbm4b:s29+s2] =	stream.linear.scatter [tilespmem:s28], [sflag:$0x2], $0x80, $0x38;
	[tilespmem:$0x4100] =	vst v63  }
0x206: {  	s31 =	sadd.s32 $0x960, s13;
	s30 =	sadd.s32 $0x900, s14  }
0x207: {  	[hbm4b:s31+s2] =	stream.linear.scatter [tilespmem:s30], [sflag:$0x2], $0x80, $0x38;
	[tilespmem:$0x4100] =	vst v63  }
0x208: {  	s18 =	sadd.s32 $0x9E0, s13;
	s17 =	sadd.s32 $0xD00, s14  }
0x209: {  	[hbm4b:s18+s2] =	stream.linear.scatter [tilespmem:s17], [sflag:$0x2], $0x80, $0x38;
	[tilespmem:$0x4100] =	vst v63  }
0x20a: {  	s20 =	sadd.s32 $0xA60, s13;
	s19 =	sadd.s32 $0x1100, s14  }
0x20b: {  	[hbm4b:s20+s2] =	stream.linear.scatter [tilespmem:s19], [sflag:$0x2], $0x80, $0x38;
	[tilespmem:$0x4100] =	vst v63  }
0x20c: {  	s22 =	sadd.s32 $0xAE0, s13;
	s21 =	sadd.s32 $0x1500, s14  }
0x20d: {  	[hbm4b:s22+s2] =	stream.linear.scatter [tilespmem:s21], [sflag:$0x2], $0x80, $0x38;
	[tilespmem:$0x4100] =	vst v63  }
0x20e: {  	s24 =	sadd.s32 $0xB60, s13;
	s23 =	sadd.s32 $0x1900, s14  }
0x20f: {  	[hbm4b:s24+s2] =	stream.linear.scatter [tilespmem:s23], [sflag:$0x2], $0x80, $0x38;
	[tilespmem:$0x4100] =	vst v63  }
0x210: {  	s25 =	sadd.s32 $0x1D00, s14;
	s26 =	sadd.s32 $0xBE0, s13  }
0x211: {  	(v2sf) =	vpush v0, $0xF;
	[hbm4b:s26+s2] =	stream.linear.scatter [tilespmem:s25], [sflag:$0x2], $0x80, $0x38;
	[tilespmem:$0x4100] =	vst v63  }
0x212: {  	s28 =	sadd.s32 $0x2100, s14;
	s29 =	sadd.s32 $0xC60, s13  }
0x213: {  	[hbm4b:s29+s2] =	stream.linear.scatter [tilespmem:s28], [sflag:$0x2], $0x80, $0x38;
	[tilespmem:$0x4100] =	vst v63  }
0x214: {  	s30 =	sadd.s32 $0x2500, s14;
	s31 =	sadd.s32 $0xCE0, s13  }
0x215: {  	[hbm4b:s31+s2] =	stream.linear.scatter [tilespmem:s30], [sflag:$0x2], $0x80, $0x38;
	[tilespmem:$0x4100] =	vst v63  }
0x216: {  	s16 =	sadd.s32 $0x2900, s14;
	s17 =	sadd.s32 $0xD60, s13  }
0x217: {  	[hbm4b:s17+s2] =	stream.linear.scatter [tilespmem:s16], [sflag:$0x2], $0x80, $0x38;
	[tilespmem:$0x4100] =	vst v63  }
0x218: {  	s18 =	sadd.s32 $0x2D00, s14;
	s19 =	sadd.s32 $0xDE0, s13  }
0x219: {  	[hbm4b:s19+s2] =	stream.linear.scatter [tilespmem:s18], [sflag:$0x2], $0x80, $0x38;
	[tilespmem:$0x4100] =	vst v63  }
0x21a: {  	s20 =	sadd.s32 $0x3100, s14;
	s21 =	sadd.s32 $0xE60, s13  }
0x21b: {  	[hbm4b:s21+s2] =	stream.linear.scatter [tilespmem:s20], [sflag:$0x2], $0x80, $0x38;
	[tilespmem:$0x4100] =	vst v63  }
0x21c: {  	s22 =	sadd.s32 $0x3500, s14;
	s23 =	sadd.s32 $0xEE0, s13  }
0x21d: {  	[hbm4b:s23+s2] =	stream.linear.scatter [tilespmem:s22], [sflag:$0x2], $0x80, $0x38;
	[tilespmem:$0x4100] =	vst v63  }
0x21e: {  	s24 =	sadd.s32 $0x3900, s14;
	s25 =	sadd.s32 $0xF60, s13  }
0x21f: {  	[hbm4b:s25+s2] =	stream.linear.scatter [tilespmem:s24], [sflag:$0x2], $0x80, $0x38;
	[tilespmem:$0x4100] =	vst v63  }
0x220: {  	s14 =	sadd.s32 $0x3D00, s14;
	s26 =	sadd.s32 $0xFE0, s13;
	s28 =	spop (v2sf)  }
0x221: {  	[hbm4b:s26+s2] =	stream.linear.scatter [tilespmem:s14], [sflag:$0x2], $0x80, $0x38;
	[tilespmem:$0x4100] =	vst v63  }
0x222: {  	s29 =	sshll.u32 s28, $0xB;
	s14 =	sshll.u32 s28, $0x7  }
0x223: {  	s15 =	sand.u32 $0xFFFFC000, s29;
	s14 =	sand.u32 $0x380, s14  }
0x224: {  	s14 =	sor.u32 s14, s15  }
0x225: {  	s30 =	sadd.s32 $0x870, s13;
	s31 =	sadd.s32 $0x100, s14  }
0x226: {  	[hbm4b:s30+s2] =	stream.linear.scatter [tilespmem:s31], [sflag:$0x2], $0x80, $0x38;
	[tilespmem:$0x4100] =	vst v63  }
0x227: {  	s18 =	sadd.s32 $0x8F0, s13;
	s17 =	sadd.s32 $0x500, s14  }
0x228: {  	[hbm4b:s18+s2] =	stream.linear.scatter [tilespmem:s17], [sflag:$0x2], $0x80, $0x38;
	[tilespmem:$0x4100] =	vst v63  }
0x229: {  	s20 =	sadd.s32 $0x970, s13;
	s19 =	sadd.s32 $0x900, s14  }
0x22a: {  	[hbm4b:s20+s2] =	stream.linear.scatter [tilespmem:s19], [sflag:$0x2], $0x80, $0x38;
	[tilespmem:$0x4100] =	vst v63  }
0x22b: {  	s22 =	sadd.s32 $0x9F0, s13;
	s21 =	sadd.s32 $0xD00, s14  }
0x22c: {  	[hbm4b:s22+s2] =	stream.linear.scatter [tilespmem:s21], [sflag:$0x2], $0x80, $0x38;
	[tilespmem:$0x4100] =	vst v63  }
0x22d: {  	s24 =	sadd.s32 $0xA70, s13;
	s23 =	sadd.s32 $0x1100, s14  }
0x22e: {  	[hbm4b:s24+s2] =	stream.linear.scatter [tilespmem:s23], [sflag:$0x2], $0x80, $0x38;
	[tilespmem:$0x4100] =	vst v63  }
0x22f: {  	s26 =	sadd.s32 $0xAF0, s13;
	s25 =	sadd.s32 $0x1500, s14  }
0x230: {  	[hbm4b:s26+s2] =	stream.linear.scatter [tilespmem:s25], [sflag:$0x2], $0x80, $0x38;
	[tilespmem:$0x4100] =	vst v63  }
0x231: {  	s29 =	sadd.s32 $0xB70, s13;
	s28 =	sadd.s32 $0x1900, s14  }
0x232: {  	[hbm4b:s29+s2] =	stream.linear.scatter [tilespmem:s28], [sflag:$0x2], $0x80, $0x38;
	[tilespmem:$0x4100] =	vst v63  }
0x233: {  	s30 =	sadd.s32 $0x1D00, s14;
	s31 =	sadd.s32 $0xBF0, s13  }
0x234: {  	[hbm4b:s31+s2] =	stream.linear.scatter [tilespmem:s30], [sflag:$0x2], $0x80, $0x38;
	[tilespmem:$0x4100] =	vst v63  }
0x235: {  	s17 =	sadd.s32 $0x2100, s14;
	s18 =	sadd.s32 $0xC70, s13  }
0x236: {  	[hbm4b:s18+s2] =	stream.linear.scatter [tilespmem:s17], [sflag:$0x2], $0x80, $0x38;
	[tilespmem:$0x4100] =	vst v63  }
0x237: {  	s19 =	sadd.s32 $0x2500, s14;
	s20 =	sadd.s32 $0xCF0, s13  }
0x238: {  	[hbm4b:s20+s2] =	stream.linear.scatter [tilespmem:s19], [sflag:$0x2], $0x80, $0x38;
	[tilespmem:$0x4100] =	vst v63  }
0x239: {  	s21 =	sadd.s32 $0x2900, s14;
	s22 =	sadd.s32 $0xD70, s13  }
0x23a: {  	[hbm4b:s22+s2] =	stream.linear.scatter [tilespmem:s21], [sflag:$0x2], $0x80, $0x38;
	[tilespmem:$0x4100] =	vst v63  }
0x23b: {  	s23 =	sadd.s32 $0x2D00, s14;
	s24 =	sadd.s32 $0xDF0, s13  }
0x23c: {  	[hbm4b:s24+s2] =	stream.linear.scatter [tilespmem:s23], [sflag:$0x2], $0x80, $0x38;
	[tilespmem:$0x4100] =	vst v63  }
0x23d: {  	s25 =	sadd.s32 $0x3100, s14;
	s26 =	sadd.s32 $0xE70, s13  }
0x23e: {  	[hbm4b:s26+s2] =	stream.linear.scatter [tilespmem:s25], [sflag:$0x2], $0x80, $0x38;
	[tilespmem:$0x4100] =	vst v63  }
0x23f: {  	p1 =	sne.s32 s12, $0xB000;
	s28 =	sadd.s32 $0x3500, s14;
	s29 =	sadd.s32 $0xEF0, s13  }
0x240: {  	[hbm4b:s29+s2] =	stream.linear.scatter [tilespmem:s28], [sflag:$0x2], $0x80, $0x38;
	[tilespmem:$0x4100] =	vst v63  }
.Ltmp0:
0x241: {  	_ = 	snop;
	(pc) =	sbr.rel @p1 .LBB2_2-.Ltmp0, $4  }
0x242: {  	s11 =	sadd.s32 $0x10, s11;
	s30 =	sadd.s32 $0x3900, s14;
	s31 =	sadd.s32 $0xF70, s13  }
0x243: {  	[hbm4b:s31+s2] =	stream.linear.scatter [tilespmem:s30], [sflag:$0x2], $0x80, $0x38;
	[tilespmem:$0x4100] =	vst v63  }
0x244: {  	s12 =	sadd.s32 $0x1000, s12;
	s14 =	sadd.s32 $0x3D00, s14;
	s13 =	sadd.s32 $0xFF0, s13  }
0x245: {  	[hbm4b:s13+s2] =	stream.linear.scatter [tilespmem:s14], [sflag:$0x2], $0x80, $0x38;
	[tilespmem:$0x4100] =	vst v63  }
0x246: {  	_ =	swait.ge [sflag:s9], $0x100  }
0x247: {  	s11 =	simm.s32 $0xBF;
	[sflag:s9] =	ssyncset.done $0x0  }
.LBB2_4:
0x248: {  	p1 =	sne.s32 s11, $0x1;
	s11 =	sadd.s32 $0xFFFFFFFF, s11;
	[sflag:s9] =	ssyncadd.s32 $0xFFFFFF00  }
.Ltmp1:
0x249: {  	(pc) =	sbr.rel @p1 .LBB2_4-.Ltmp1, $3  }
0x24a: {  	_ =	sdelay $0x1  }
0x24b: {  	_ =	swait.ge [sflag:s9], $0x100  }
0x24c: {  	[sflag:s9] =	ssyncset.done $0x0  }
0x24d: {  	[sflag:s9] =	ssyncadd.s32 $0xFFFFFF00;
	s11 =	simm.s32 @!p0 $0x0;
	s10 =	sadd.s32 $0x1, s10  }
0x24e: {  	[hbm4b:s4+s11] =	stream.linear.scatter @!p0 [tilespmem:s11], [sflag:$0x1], $0x10, $0x38;
	[tilespmem:$0x4100] =	vst v63  }
0x24f: {  	p1 =	sne.s32 s10, s6  }
.Ltmp2:
0x250: {  	_ = 	snop;
	(pc) =	sbr.rel @p1 .LBB2_1-.Ltmp2, $4  }
0x251: {  	s11 =	simm.s32 @!p0 $0x1  }
0x252: {  	_ =	swait.ge @!p0 [sflag:s11], $0x10  }
0x253: {  	[sflag:s11] =	ssyncset.done @!p0 $0x0  }
0x254: {  	[sflag:s11] =	ssyncadd.s32 @!p0 $0xFFFFFFF0  }
0x255: {  	_ =	sfence.sel $0x180000  }
0x256: {  	[bflag:$0x0] =	sbarrier.arrive $0xFFFF  }
0x257: {  	p0 =	sne.s32 s1, $0x0;
	_ =	strace $0x90000047  }
0x258: {  	s0 =	sadd.s32 @!p0 $0x100000, s0;
	[bflag:$0x2] =	sbarrier.arrive $0xFFFF  }
0x259: {  	[sflag:s0] =	ssyncadd.tile.s32 @!p0 $0x1;
	_ =	shalt  }
.Lfunc_end2:
_tile_overlayer_lowered:
.L_overlay_start_2:
0x25a: {  	(tag) =	ssettag $0x2  }
0x25b: {  	s0 =	rddreg [dreg:$0x0];
	s2 =	stileid.u32  }
0x25c: {  	s1 =	rddreg [dreg:$0x1];
	p0 =	sne.s32 s2, $0x0  }
0x25d: {  	s3 =	rddreg [dreg:$0x2];
	[bflag:$0x3] =	sbarrier.arrive $0xFFFF;
	s2 =	simm.s32 @!p0 $0x1C03  }
0x25e: {  	[timem:s3], [sflag:s2] =	dma.local @!p0 [hbm:s0], s1  }
0x25f: {  	s0 =	simm.s32 @!p0 $0x3  }
0x260: {  	_ =	swait.ge @!p0 [sflag:s0], s1  }
0x261: {  	s1 =	ssub.s32 @!p0 $0x0, s1;
	[sflag:s0] =	ssyncset.done @!p0 $0x0  }
0x262: {  	[sflag:s0] =	ssyncadd.s32 @!p0 s1  }
0x263: {  	[bflag:$0x3] =	sbarrier.arrive $0xFFFF  }
0x264: {  	_ =	shalt  }

</sc_bundles>
